<compile_context>
chip_gen: v7x
topology: tpu7x:2x2x1
jax: 0.10.2.dev20260603
libtpu: 0.0.44.dev20260713+nightly
codegen_flags: <defaults>
</compile_context>

<pallas_src>
import jax
import jax.numpy as jnp
from jax.experimental import pallas as pl
from jax.experimental.pallas import tpu as pltpu

_N = 5000
_NC = 80
_CONF = 0.25
_THR = 0.45
_NP = 5120
_B = 512
_NB = _NP // _B


def _prologue_body(p_ref, det_ref, score_ref):
    p = p_ref[...]
    lane = jax.lax.broadcasted_iota(jnp.int32, p.shape, 1)

    def pick(j):
        return jnp.sum(jnp.where(lane == j, p, 0.0), axis=1, keepdims=True)

    cx = pick(0)
    cy = pick(1)
    w = pick(2)
    h = pick(3)
    obj = pick(4)
    neg = jnp.float32(-jnp.inf)
    clsmask = lane >= 5
    cls_conf = jnp.max(jnp.where(clsmask, p, neg), axis=1, keepdims=True)
    eq = clsmask & (p == cls_conf)
    big = jnp.int32(2 ** 30)
    pred_i = jnp.min(jnp.where(eq, lane - 5, big), axis=1, keepdims=True)
    predf = pred_i.astype(jnp.float32)
    x1 = cx - w / 2.0
    y1 = cy - h / 2.0
    x2 = cx + w / 2.0
    y2 = cy + h / 2.0
    mask = (obj * cls_conf) >= _CONF
    validf = mask.astype(jnp.float32)
    negscore = jnp.where(mask, -obj, -neg)
    cols = [x1, y1, x2, y2, obj, cls_conf, predf, validf]
    lane8 = jax.lax.broadcasted_iota(jnp.int32, (p.shape[0], 8), 1)
    det = jnp.zeros((p.shape[0], 8), jnp.float32)
    for j, c in enumerate(cols):
        det = det + jnp.where(lane8 == j, c, 0.0)
    det_ref[pl.ds(0, _N), :] = det
    det_ref[pl.ds(_N, _NP - _N), :] = jnp.zeros((_NP - _N, 8), jnp.float32)
    score_ref[pl.ds(0, _N), :] = negscore
    score_ref[pl.ds(_N, _NP - _N), :] = jnp.full((_NP - _N, 1), -neg,
                                                 jnp.float32)


def _nms_body(det_ref, detT_ref, out_ref, sup_ref, over_ref):
    B = _B
    f32 = jnp.float32
    sub2 = jax.lax.broadcasted_iota(jnp.int32, (B, B), 0)
    lane2 = jax.lax.broadcasted_iota(jnp.int32, (B, B), 1)
    tri = lane2 > sub2
    eye = (lane2 == sub2).astype(f32)
    lane8 = jax.lax.broadcasted_iota(jnp.int32, (B, 8), 1)

    def initk(k, _):
        rm = detT_ref[k]
        sup_ref[k] = 1.0 - rm[7:8, :]
        return 0

    jax.lax.fori_loop(0, _NB, initk, 0, unroll=False)

    def rows_of(mat):
        return mat[0:1, :], mat[1:2, :], mat[2:3, :], mat[3:4, :]

    def cols_of(blk):
        def pickc(j):
            return jnp.sum(jnp.where(lane8 == j, blk, 0.0), axis=1,
                           keepdims=True)

        return pickc(0), pickc(1), pickc(2), pickc(3)

    def iou_cr(c, r):
        x1c, y1c, x2c, y2c = c
        x1r, y1r, x2r, y2r = r
        area_c = (x2c - x1c) * (y2c - y1c)
        area_r = (x2r - x1r) * (y2r - y1r)
        xx1 = jnp.maximum(x1c, x1r)
        yy1 = jnp.maximum(y1c, y1r)
        xx2 = jnp.minimum(x2c, x2r)
        yy2 = jnp.minimum(y2c, y2r)
        iw = jnp.clip(xx2 - xx1, 0.0)
        ih = jnp.clip(yy2 - yy1, 0.0)
        inter = iw * ih
        return inter / (area_c + area_r - inter + 1e-9)

    def outer(k, _):
        blk = det_ref[k]
        s0 = sup_ref[k]
        block_live = jnp.any(s0 < 0.5)
        ck = cols_of(blk)

        @pl.when(block_live)
        def _intra():
            rm = detT_ref[k]
            rk = rows_of(rm)
            iou_kk = iou_cr(ck, rk)
            over_ref[...] = jnp.where((iou_kk > _THR) & tri, 1.0, 0.0)

            def jcond(c):
                return c[1]

            def jbody(c):
                s, _ = c
                alive_col = jnp.sum(eye * (1.0 - s), axis=1,
                                    keepdims=True)
                hit = jnp.max(over_ref[...] * alive_col, axis=0,
                              keepdims=True)
                s_new = jnp.maximum(s0, hit)
                return (s_new, jnp.any(s_new != s))

            s, _ = jax.lax.while_loop(jcond, jbody, (s0, jnp.bool_(True)))
            sup_ref[k] = s

        s_fin = sup_ref[k]
        alive_col = jnp.sum(eye * (1.0 - s_fin), axis=1,
                            keepdims=True)
        out_ref[k] = blk * alive_col

        @pl.when(block_live)
        def _cross_all():
            def cross(m, _2):
                @pl.when(m > k)
                def _do():
                    rmm = detT_ref[m]
                    rmc = rows_of(rmm)
                    iou_km = iou_cr(ck, rmc)
                    overm = jnp.where(iou_km > _THR, alive_col, 0.0)
                    supm = jnp.max(overm, axis=0, keepdims=True)
                    sup_ref[m] = jnp.maximum(sup_ref[m], supm)

                return 0

            jax.lax.fori_loop(0, _NB, cross, 0, unroll=2)

        return 0

    jax.lax.fori_loop(0, _NB, outer, 0, unroll=False)


def _build(interpret=False):
    prologue = pl.pallas_call(
        _prologue_body,
        out_shape=[jax.ShapeDtypeStruct((_NP, 8), jnp.float32),
                   jax.ShapeDtypeStruct((_NP, 1), jnp.float32)],
        interpret=interpret,
    )
    nms = pl.pallas_call(
        _nms_body,
        out_shape=jax.ShapeDtypeStruct((_NB, _B, 8), jnp.float32),
        scratch_shapes=[pltpu.VMEM((_NB, 1, _B), jnp.float32),
                        pltpu.VMEM((_B, _B), jnp.float32)],
        interpret=interpret,
    )

    def run(prediction):
        det, negscore = prologue(prediction)
        order = jnp.argsort(negscore[:, 0])
        det_s = jnp.take(det, order, axis=0)
        det3 = det_s.reshape(_NB, _B, 8)
        detT3 = jnp.transpose(det3, (0, 2, 1))
        out3 = nms(det3, detT3)
        return out3.reshape(_NP, 8)[:_N, :7]

    return run


_run = _build(interpret=False)


@jax.jit
def kernel(prediction):
    return _run(prediction)

# --- scband reference (transcript-rebuilt; emitter-appended) ---
"""Pipeline reference for scband-wrapper-56495999812119 (READ-ONLY COPY).

The authoritative reference and input builder live on the scoring server;
editing this copy changes nothing except your own understanding.
"""

import jax, jax.numpy as jnp
import numpy as np

N = 5000
NUM_CLASSES = 80
CONF_THRE = 0.25
NMS_THRE = 0.45

def setup_inputs(seed: int = 0) -> dict:
    key = jax.random.key(seed)
    p = jax.random.uniform(key, (N, 5 + NUM_CLASSES), dtype=jnp.float32)
    # realistic decoded YOLOX head output: cx,cy in [0,640], w,h in [16,144],
    # obj conf and class probs in [0,1]
    cxcy = p[:, 0:2] * 640.0
    wh = p[:, 2:4] * 128.0 + 16.0
    rest = p[:, 4:]
    prediction = jnp.concatenate([cxcy, wh, rest], axis=1)
    return {"prediction": prediction}

def reference(prediction):
    # custompostprocesssingle with class_agnostic=True, classconfscore=True
    cx = prediction[:, 0]; cy = prediction[:, 1]
    w = prediction[:, 2]; h = prediction[:, 3]
    x1 = cx - w / 2.0; y1 = cy - h / 2.0
    x2 = cx + w / 2.0; y2 = cy + h / 2.0
    corners = jnp.stack([x1, y1, x2, y2], axis=1)
    obj = prediction[:, 4]
    cls = prediction[:, 5:5 + NUM_CLASSES]
    class_conf = jnp.max(cls, axis=1)
    class_pred = jnp.argmax(cls, axis=1)
    # conf mask: obj * class_conf >= conf_thre (classconfscore=True)
    conf_mask = (obj * class_conf) >= CONF_THRE
    detections = jnp.concatenate([
        corners,
        obj[:, None],
        class_conf[:, None],
        class_pred.astype(jnp.float32)[:, None],
    ], axis=1)  # [N, 7]
    # NMS score is detections[:,4] (objectness), class-agnostic greedy NMS.
    scores = obj
    scores_m = jnp.where(conf_mask, scores, -jnp.inf)
    order = jnp.argsort(-scores_m)
    det_s = jnp.take(detections, order, axis=0)
    boxes_s = det_s[:, :4]
    valid_s = jnp.take(conf_mask, order, axis=0)
    # IoU matrix (indices/masks carry no gradient, matching torchvision.ops.nms)
    b = jax.lax.stop_gradient(boxes_s)
    area = (b[:, 2] - b[:, 0]) * (b[:, 3] - b[:, 1])
    xx1 = jnp.maximum(b[:, None, 0], b[None, :, 0])
    yy1 = jnp.maximum(b[:, None, 1], b[None, :, 1])
    xx2 = jnp.minimum(b[:, None, 2], b[None, :, 2])
    yy2 = jnp.minimum(b[:, None, 3], b[None, :, 3])
    iw = jnp.clip(xx2 - xx1, 0.0)
    ih = jnp.clip(yy2 - yy1, 0.0)
    inter = iw * ih
    iou = inter / (area[:, None] + area[None, :] - inter + 1e-9)
    n = boxes_s.shape[0]
    idx = jnp.arange(n)
    suppressed0 = jnp.logical_not(valid_s)
    def body(i, suppressed):
        cur = suppressed[i]
        sup_row = (iou[i] > NMS_THRE) & (idx > i)
        return jnp.where(cur, suppressed, suppressed | sup_row)
    suppressed = jax.lax.fori_loop(0, n, body, suppressed0)
    keep = jnp.logical_not(suppressed) & valid_s
    # fixed-shape output: kept detections (score-sorted) with suppressed rows zeroed
    out = det_s * keep[:, None].astype(det_s.dtype)
    return out

if __name__ == "__main__":
    import jax
    _d = setup_inputs()
    print(jax.jit(kernel)(*tuple(_d.values())))

</pallas_src>

<mosaic_0001>
module attributes {stable_mosaic.version = 14 : i64} {
  func.func @_prologue_body(%arg0: memref<5000x85xf32, #tpu.memory_space<vmem>>, %arg1: memref<5120x8xf32, #tpu.memory_space<vmem>>, %arg2: memref<5120x1xf32, #tpu.memory_space<vmem>>) attributes {dimension_semantics = [], scalar_prefetch = 0 : i64, scratch_operands = 0 : i64, tpu.core_type = #tpu.core_type<tc>} {
    %get3A = arith.constant 0 : index
    %get3A_0 = arith.constant 0 : index
    %get3A_1 = vector.load %arg0[%get3A, %get3A_0] : memref<5000x85xf32, #tpu.memory_space<vmem>>, vector<5000x85xf32>
    %iota3A = tpu.iota {dimensions = array<i32: 1>} : vector<5000x85xi32>
    %eq3A = arith.constant 0 : i32
    %eq3A_2 = vector.broadcast %eq3A : i32 to vector<5000x85xi32>
    %eq3A_3 = arith.cmpi eq, %iota3A, %eq3A_2 : vector<5000x85xi32>
    %jit3A = arith.constant 0.000000e+00 : f32
    %broadcast_in_dim3A = vector.broadcast %jit3A : f32 to vector<5000x85xf32>
    %select_n3A = arith.select %eq3A_3, %get3A_1, %broadcast_in_dim3A : vector<5000x85xi1>, vector<5000x85xf32>
    %reduce_sum3A = arith.constant dense<0.000000e+00> : vector<5000xf32>
    %reduce_sum3A_4 = vector.multi_reduction <add>, %select_n3A, %reduce_sum3A [1] : vector<5000x85xf32> to vector<5000xf32>
    %broadcast_in_dim3A_5 = vector.shape_cast %reduce_sum3A_4 : vector<5000xf32> to vector<5000x1xf32>
    %eq3A_6 = arith.constant 1 : i32
    %eq3A_7 = vector.broadcast %eq3A_6 : i32 to vector<5000x85xi32>
    %eq3A_8 = arith.cmpi eq, %iota3A, %eq3A_7 : vector<5000x85xi32>
    %jit3A_9 = arith.constant 0.000000e+00 : f32
    %broadcast_in_dim3A_10 = vector.broadcast %jit3A_9 : f32 to vector<5000x85xf32>
    %select_n3A_11 = arith.select %eq3A_8, %get3A_1, %broadcast_in_dim3A_10 : vector<5000x85xi1>, vector<5000x85xf32>
    %reduce_sum3A_12 = arith.constant dense<0.000000e+00> : vector<5000xf32>
    %reduce_sum3A_13 = vector.multi_reduction <add>, %select_n3A_11, %reduce_sum3A_12 [1] : vector<5000x85xf32> to vector<5000xf32>
    %broadcast_in_dim3A_14 = vector.shape_cast %reduce_sum3A_13 : vector<5000xf32> to vector<5000x1xf32>
    %eq3A_15 = arith.constant 2 : i32
    %eq3A_16 = vector.broadcast %eq3A_15 : i32 to vector<5000x85xi32>
    %eq3A_17 = arith.cmpi eq, %iota3A, %eq3A_16 : vector<5000x85xi32>
    %jit3A_18 = arith.constant 0.000000e+00 : f32
    %broadcast_in_dim3A_19 = vector.broadcast %jit3A_18 : f32 to vector<5000x85xf32>
    %select_n3A_20 = arith.select %eq3A_17, %get3A_1, %broadcast_in_dim3A_19 : vector<5000x85xi1>, vector<5000x85xf32>
    %reduce_sum3A_21 = arith.constant dense<0.000000e+00> : vector<5000xf32>
    %reduce_sum3A_22 = vector.multi_reduction <add>, %select_n3A_20, %reduce_sum3A_21 [1] : vector<5000x85xf32> to vector<5000xf32>
    %broadcast_in_dim3A_23 = vector.shape_cast %reduce_sum3A_22 : vector<5000xf32> to vector<5000x1xf32>
    %eq3A_24 = arith.constant 3 : i32
    %eq3A_25 = vector.broadcast %eq3A_24 : i32 to vector<5000x85xi32>
    %eq3A_26 = arith.cmpi eq, %iota3A, %eq3A_25 : vector<5000x85xi32>
    %jit3A_27 = arith.constant 0.000000e+00 : f32
    %broadcast_in_dim3A_28 = vector.broadcast %jit3A_27 : f32 to vector<5000x85xf32>
    %select_n3A_29 = arith.select %eq3A_26, %get3A_1, %broadcast_in_dim3A_28 : vector<5000x85xi1>, vector<5000x85xf32>
    %reduce_sum3A_30 = arith.constant dense<0.000000e+00> : vector<5000xf32>
    %reduce_sum3A_31 = vector.multi_reduction <add>, %select_n3A_29, %reduce_sum3A_30 [1] : vector<5000x85xf32> to vector<5000xf32>
    %broadcast_in_dim3A_32 = vector.shape_cast %reduce_sum3A_31 : vector<5000xf32> to vector<5000x1xf32>
    %eq3A_33 = arith.constant 4 : i32
    %eq3A_34 = vector.broadcast %eq3A_33 : i32 to vector<5000x85xi32>
    %eq3A_35 = arith.cmpi eq, %iota3A, %eq3A_34 : vector<5000x85xi32>
    %jit3A_36 = arith.constant 0.000000e+00 : f32
    %broadcast_in_dim3A_37 = vector.broadcast %jit3A_36 : f32 to vector<5000x85xf32>
    %select_n3A_38 = arith.select %eq3A_35, %get3A_1, %broadcast_in_dim3A_37 : vector<5000x85xi1>, vector<5000x85xf32>
    %reduce_sum3A_39 = arith.constant dense<0.000000e+00> : vector<5000xf32>
    %reduce_sum3A_40 = vector.multi_reduction <add>, %select_n3A_38, %reduce_sum3A_39 [1] : vector<5000x85xf32> to vector<5000xf32>
    %broadcast_in_dim3A_41 = vector.shape_cast %reduce_sum3A_40 : vector<5000xf32> to vector<5000x1xf32>
    %ge3A = arith.constant 5 : i32
    %ge3A_42 = vector.broadcast %ge3A : i32 to vector<5000x85xi32>
    %ge3A_43 = arith.cmpi sge, %iota3A, %ge3A_42 : vector<5000x85xi32>
    %jit3A_44 = arith.constant 0xFF800000 : f32
    %broadcast_in_dim3A_45 = vector.broadcast %jit3A_44 : f32 to vector<5000x85xf32>
    %select_n3A_46 = arith.select %ge3A_43, %get3A_1, %broadcast_in_dim3A_45 : vector<5000x85xi1>, vector<5000x85xf32>
    %reduce_max3A = arith.constant dense<0xFF800000> : vector<5000xf32>
    %reduce_max3A_47 = vector.multi_reduction <maximumf>, %select_n3A_46, %reduce_max3A [1] : vector<5000x85xf32> to vector<5000xf32>
    %broadcast_in_dim3A_48 = vector.shape_cast %reduce_max3A_47 : vector<5000xf32> to vector<5000x1xf32>
    %eq3A_49 = vector.broadcast %broadcast_in_dim3A_48 : vector<5000x1xf32> to vector<5000x85xf32>
    %eq3A_50 = arith.cmpf oeq, %get3A_1, %eq3A_49 : vector<5000x85xf32>
    %and3A = arith.andi %ge3A_43, %eq3A_50 : vector<5000x85xi1>
    %sub3A = arith.constant 5 : i32
    %sub3A_51 = vector.broadcast %sub3A : i32 to vector<5000x85xi32>
    %sub3A_52 = arith.subi %iota3A, %sub3A_51 : vector<5000x85xi32>
    %jit3A_53 = arith.constant 1073741824 : i32
    %broadcast_in_dim3A_54 = vector.broadcast %jit3A_53 : i32 to vector<5000x85xi32>
    %select_n3A_55 = arith.select %and3A, %sub3A_52, %broadcast_in_dim3A_54 : vector<5000x85xi1>, vector<5000x85xi32>
    %reduce_min3A = arith.constant dense<2147483647> : vector<5000xi32>
    %reduce_min3A_56 = vector.multi_reduction <minsi>, %select_n3A_55, %reduce_min3A [1] : vector<5000x85xi32> to vector<5000xi32>
    %broadcast_in_dim3A_57 = vector.shape_cast %reduce_min3A_56 : vector<5000xi32> to vector<5000x1xi32>
    %convert_element_type3A = arith.sitofp %broadcast_in_dim3A_57 : vector<5000x1xi32> to vector<5000x1xf32>
    %div3A = arith.constant 2.000000e+00 : f32
    %div3A_58 = vector.broadcast %div3A : f32 to vector<5000x1xf32>
    %div3A_59 = arith.divf %broadcast_in_dim3A_23, %div3A_58 : vector<5000x1xf32>
    %sub3A_60 = arith.subf %broadcast_in_dim3A_5, %div3A_59 : vector<5000x1xf32>
    %div3A_61 = arith.constant 2.000000e+00 : f32
    %div3A_62 = vector.broadcast %div3A_61 : f32 to vector<5000x1xf32>
    %div3A_63 = arith.divf %broadcast_in_dim3A_32, %div3A_62 : vector<5000x1xf32>
    %sub3A_64 = arith.subf %broadcast_in_dim3A_14, %div3A_63 : vector<5000x1xf32>
    %div3A_65 = arith.constant 2.000000e+00 : f32
    %div3A_66 = vector.broadcast %div3A_65 : f32 to vector<5000x1xf32>
    %div3A_67 = arith.divf %broadcast_in_dim3A_23, %div3A_66 : vector<5000x1xf32>
    %add3A = arith.addf %broadcast_in_dim3A_5, %div3A_67 : vector<5000x1xf32>
    %div3A_68 = arith.constant 2.000000e+00 : f32
    %div3A_69 = vector.broadcast %div3A_68 : f32 to vector<5000x1xf32>
    %div3A_70 = arith.divf %broadcast_in_dim3A_32, %div3A_69 : vector<5000x1xf32>
    %add3A_71 = arith.addf %broadcast_in_dim3A_14, %div3A_70 : vector<5000x1xf32>
    %mul3A = arith.mulf %broadcast_in_dim3A_41, %broadcast_in_dim3A_48 : vector<5000x1xf32>
    %ge3A_72 = arith.constant 2.500000e-01 : f32
    %ge3A_73 = vector.broadcast %ge3A_72 : f32 to vector<5000x1xf32>
    %ge3A_74 = arith.cmpf oge, %mul3A, %ge3A_73 : vector<5000x1xf32>
    %convert_element_type3A_75 = arith.extui %ge3A_74 : vector<5000x1xi1> to vector<5000x1xi32>
    %convert_element_type3A_76 = arith.sitofp %convert_element_type3A_75 : vector<5000x1xi32> to vector<5000x1xf32>
    %neg3A = arith.constant 0.000000e+00 : f32
    %neg3A_77 = vector.broadcast %neg3A : f32 to vector<5000x1xf32>
    %neg3A_78 = arith.subf %neg3A_77, %broadcast_in_dim3A_41 : vector<5000x1xf32>
    %neg3A_79 = arith.constant 0.000000e+00 : f32
    %neg3A_80 = arith.constant 0xFF800000 : f32
    %neg3A_81 = arith.subf %neg3A_79, %neg3A_80 : f32
    %broadcast_in_dim3A_82 = vector.broadcast %neg3A_81 : f32 to vector<5000x1xf32>
    %select_n3A_83 = arith.select %ge3A_74, %neg3A_78, %broadcast_in_dim3A_82 : vector<5000x1xi1>, vector<5000x1xf32>
    %iota3A_84 = tpu.iota {dimensions = array<i32: 1>} : vector<5000x8xi32>
    %broadcast_in_dim3A_85 = arith.constant 0.000000e+00 : f32
    %broadcast_in_dim3A_86 = vector.broadcast %broadcast_in_dim3A_85 : f32 to vector<5000x8xf32>
    %eq3A_87 = arith.constant 0 : i32
    %eq3A_88 = vector.broadcast %eq3A_87 : i32 to vector<5000x8xi32>
    %eq3A_89 = arith.cmpi eq, %iota3A_84, %eq3A_88 : vector<5000x8xi32>
    %jit3A_90 = arith.constant 0.000000e+00 : f32
    %broadcast_in_dim3A_91 = vector.shape_cast %sub3A_60 : vector<5000x1xf32> to vector<5000x1xf32>
    %broadcast_in_dim3A_92 = vector.broadcast %broadcast_in_dim3A_91 : vector<5000x1xf32> to vector<5000x8xf32>
    %broadcast_in_dim3A_93 = vector.broadcast %jit3A_90 : f32 to vector<5000x8xf32>
    %select_n3A_94 = arith.select %eq3A_89, %broadcast_in_dim3A_92, %broadcast_in_dim3A_93 : vector<5000x8xi1>, vector<5000x8xf32>
    %add3A_95 = arith.addf %broadcast_in_dim3A_86, %select_n3A_94 : vector<5000x8xf32>
    %eq3A_96 = arith.constant 1 : i32
    %eq3A_97 = vector.broadcast %eq3A_96 : i32 to vector<5000x8xi32>
    %eq3A_98 = arith.cmpi eq, %iota3A_84, %eq3A_97 : vector<5000x8xi32>
    %jit3A_99 = arith.constant 0.000000e+00 : f32
    %broadcast_in_dim3A_100 = vector.shape_cast %sub3A_64 : vector<5000x1xf32> to vector<5000x1xf32>
    %broadcast_in_dim3A_101 = vector.broadcast %broadcast_in_dim3A_100 : vector<5000x1xf32> to vector<5000x8xf32>
    %broadcast_in_dim3A_102 = vector.broadcast %jit3A_99 : f32 to vector<5000x8xf32>
    %select_n3A_103 = arith.select %eq3A_98, %broadcast_in_dim3A_101, %broadcast_in_dim3A_102 : vector<5000x8xi1>, vector<5000x8xf32>
    %add3A_104 = arith.addf %add3A_95, %select_n3A_103 : vector<5000x8xf32>
    %eq3A_105 = arith.constant 2 : i32
    %eq3A_106 = vector.broadcast %eq3A_105 : i32 to vector<5000x8xi32>
    %eq3A_107 = arith.cmpi eq, %iota3A_84, %eq3A_106 : vector<5000x8xi32>
    %jit3A_108 = arith.constant 0.000000e+00 : f32
    %broadcast_in_dim3A_109 = vector.shape_cast %add3A : vector<5000x1xf32> to vector<5000x1xf32>
    %broadcast_in_dim3A_110 = vector.broadcast %broadcast_in_dim3A_109 : vector<5000x1xf32> to vector<5000x8xf32>
    %broadcast_in_dim3A_111 = vector.broadcast %jit3A_108 : f32 to vector<5000x8xf32>
    %select_n3A_112 = arith.select %eq3A_107, %broadcast_in_dim3A_110, %broadcast_in_dim3A_111 : vector<5000x8xi1>, vector<5000x8xf32>
    %add3A_113 = arith.addf %add3A_104, %select_n3A_112 : vector<5000x8xf32>
    %eq3A_114 = arith.constant 3 : i32
    %eq3A_115 = vector.broadcast %eq3A_114 : i32 to vector<5000x8xi32>
    %eq3A_116 = arith.cmpi eq, %iota3A_84, %eq3A_115 : vector<5000x8xi32>
    %jit3A_117 = arith.constant 0.000000e+00 : f32
    %broadcast_in_dim3A_118 = vector.shape_cast %add3A_71 : vector<5000x1xf32> to vector<5000x1xf32>
    %broadcast_in_dim3A_119 = vector.broadcast %broadcast_in_dim3A_118 : vector<5000x1xf32> to vector<5000x8xf32>
    %broadcast_in_dim3A_120 = vector.broadcast %jit3A_117 : f32 to vector<5000x8xf32>
    %select_n3A_121 = arith.select %eq3A_116, %broadcast_in_dim3A_119, %broadcast_in_dim3A_120 : vector<5000x8xi1>, vector<5000x8xf32>
    %add3A_122 = arith.addf %add3A_113, %select_n3A_121 : vector<5000x8xf32>
    %eq3A_123 = arith.constant 4 : i32
    %eq3A_124 = vector.broadcast %eq3A_123 : i32 to vector<5000x8xi32>
    %eq3A_125 = arith.cmpi eq, %iota3A_84, %eq3A_124 : vector<5000x8xi32>
    %jit3A_126 = arith.constant 0.000000e+00 : f32
    %broadcast_in_dim3A_127 = vector.shape_cast %broadcast_in_dim3A_41 : vector<5000x1xf32> to vector<5000x1xf32>
    %broadcast_in_dim3A_128 = vector.broadcast %broadcast_in_dim3A_127 : vector<5000x1xf32> to vector<5000x8xf32>
    %broadcast_in_dim3A_129 = vector.broadcast %jit3A_126 : f32 to vector<5000x8xf32>
    %select_n3A_130 = arith.select %eq3A_125, %broadcast_in_dim3A_128, %broadcast_in_dim3A_129 : vector<5000x8xi1>, vector<5000x8xf32>
    %add3A_131 = arith.addf %add3A_122, %select_n3A_130 : vector<5000x8xf32>
    %eq3A_132 = arith.constant 5 : i32
    %eq3A_133 = vector.broadcast %eq3A_132 : i32 to vector<5000x8xi32>
    %eq3A_134 = arith.cmpi eq, %iota3A_84, %eq3A_133 : vector<5000x8xi32>
    %jit3A_135 = arith.constant 0.000000e+00 : f32
    %broadcast_in_dim3A_136 = vector.shape_cast %broadcast_in_dim3A_48 : vector<5000x1xf32> to vector<5000x1xf32>
    %broadcast_in_dim3A_137 = vector.broadcast %broadcast_in_dim3A_136 : vector<5000x1xf32> to vector<5000x8xf32>
    %broadcast_in_dim3A_138 = vector.broadcast %jit3A_135 : f32 to vector<5000x8xf32>
    %select_n3A_139 = arith.select %eq3A_134, %broadcast_in_dim3A_137, %broadcast_in_dim3A_138 : vector<5000x8xi1>, vector<5000x8xf32>
    %add3A_140 = arith.addf %add3A_131, %select_n3A_139 : vector<5000x8xf32>
    %eq3A_141 = arith.constant 6 : i32
    %eq3A_142 = vector.broadcast %eq3A_141 : i32 to vector<5000x8xi32>
    %eq3A_143 = arith.cmpi eq, %iota3A_84, %eq3A_142 : vector<5000x8xi32>
    %jit3A_144 = arith.constant 0.000000e+00 : f32
    %broadcast_in_dim3A_145 = vector.shape_cast %convert_element_type3A : vector<5000x1xf32> to vector<5000x1xf32>
    %broadcast_in_dim3A_146 = vector.broadcast %broadcast_in_dim3A_145 : vector<5000x1xf32> to vector<5000x8xf32>
    %broadcast_in_dim3A_147 = vector.broadcast %jit3A_144 : f32 to vector<5000x8xf32>
    %select_n3A_148 = arith.select %eq3A_143, %broadcast_in_dim3A_146, %broadcast_in_dim3A_147 : vector<5000x8xi1>, vector<5000x8xf32>
    %add3A_149 = arith.addf %add3A_140, %select_n3A_148 : vector<5000x8xf32>
    %eq3A_150 = arith.constant 7 : i32
    %eq3A_151 = vector.broadcast %eq3A_150 : i32 to vector<5000x8xi32>
    %eq3A_152 = arith.cmpi eq, %iota3A_84, %eq3A_151 : vector<5000x8xi32>
    %jit3A_153 = arith.constant 0.000000e+00 : f32
    %broadcast_in_dim3A_154 = vector.shape_cast %convert_element_type3A_76 : vector<5000x1xf32> to vector<5000x1xf32>
    %broadcast_in_dim3A_155 = vector.broadcast %broadcast_in_dim3A_154 : vector<5000x1xf32> to vector<5000x8xf32>
    %broadcast_in_dim3A_156 = vector.broadcast %jit3A_153 : f32 to vector<5000x8xf32>
    %select_n3A_157 = arith.select %eq3A_152, %broadcast_in_dim3A_155, %broadcast_in_dim3A_156 : vector<5000x8xi1>, vector<5000x8xf32>
    %add3A_158 = arith.addf %add3A_149, %select_n3A_157 : vector<5000x8xf32>
    %swap3A = arith.constant 0 : index
    %swap3A_159 = arith.constant 0 : index
    %swap3A_160 = vector.load %arg1[%swap3A, %swap3A_159] : memref<5120x8xf32, #tpu.memory_space<vmem>>, vector<5000x8xf32>
    tpu.vector_store %arg1[%swap3A, %swap3A_159], %add3A_158 {strides = array<i32>} : memref<5120x8xf32, #tpu.memory_space<vmem>>, vector<5000x8xf32>,
    %broadcast_in_dim3A_161 = arith.constant 0.000000e+00 : f32
    %broadcast_in_dim3A_162 = vector.broadcast %broadcast_in_dim3A_161 : f32 to vector<120x8xf32>
    %swap3A_163 = arith.constant 5000 : index
    %swap3A_164 = arith.constant 0 : index
    %swap3A_165 = vector.load %arg1[%swap3A_163, %swap3A_164] : memref<5120x8xf32, #tpu.memory_space<vmem>>, vector<120x8xf32>
    tpu.vector_store %arg1[%swap3A_163, %swap3A_164], %broadcast_in_dim3A_162 {strides = array<i32>} : memref<5120x8xf32, #tpu.memory_space<vmem>>, vector<120x8xf32>,
    %swap3A_166 = arith.constant 0 : index
    %swap3A_167 = arith.constant 0 : index
    %swap3A_168 = vector.load %arg2[%swap3A_166, %swap3A_167] : memref<5120x1xf32, #tpu.memory_space<vmem>>, vector<5000x1xf32>
    tpu.vector_store %arg2[%swap3A_166, %swap3A_167], %select_n3A_83 {strides = array<i32>} : memref<5120x1xf32, #tpu.memory_space<vmem>>, vector<5000x1xf32>,
    %neg3A_169 = arith.constant 0.000000e+00 : f32
    %neg3A_170 = arith.constant 0xFF800000 : f32
    %neg3A_171 = arith.subf %neg3A_169, %neg3A_170 : f32
    %broadcast_in_dim3A_172 = vector.broadcast %neg3A_171 : f32 to vector<120x1xf32>
    %swap3A_173 = arith.constant 5000 : index
    %swap3A_174 = arith.constant 0 : index
    %swap3A_175 = vector.load %arg2[%swap3A_173, %swap3A_174] : memref<5120x1xf32, #tpu.memory_space<vmem>>, vector<120x1xf32>
    tpu.vector_store %arg2[%swap3A_173, %swap3A_174], %broadcast_in_dim3A_172 {strides = array<i32>} : memref<5120x1xf32, #tpu.memory_space<vmem>>, vector<120x1xf32>,
    return
  }
}

module attributes {stable_mosaic.version = 14 : i64} {
  func.func @_nms_body(%arg0: memref<10x512x8xf32, #tpu.memory_space<vmem>>, %arg1: memref<10x8x512xf32, #tpu.memory_space<vmem>>, %arg2: memref<10x512x8xf32, #tpu.memory_space<vmem>>, %arg3: memref<10x1x512xf32, #tpu.memory_space<vmem>>, %arg4: memref<512x512xf32, #tpu.memory_space<vmem>>) attributes {dimension_semantics = [], scalar_prefetch = 0 : i64, scratch_operands = 2 : i64, tpu.core_type = #tpu.core_type<tc>} {
    %iota3A = tpu.iota {dimensions = array<i32: 0>} : vector<512x512xi32>
    %iota3A_0 = tpu.iota {dimensions = array<i32: 1>} : vector<512x512xi32>
    %gt3A = arith.cmpi sgt, %iota3A_0, %iota3A : vector<512x512xi32>
    %eq3A = arith.cmpi eq, %iota3A_0, %iota3A : vector<512x512xi32>
    %convert_element_type3A = arith.extui %eq3A : vector<512x512xi1> to vector<512x512xi32>
    %convert_element_type3A_1 = arith.sitofp %convert_element_type3A : vector<512x512xi32> to vector<512x512xf32>
    %iota3A_2 = tpu.iota {dimensions = array<i32: 1>} : vector<512x8xi32>
    %scan3A = arith.constant 0 : i32
    %scan3A_3 = arith.constant 10 : i32
    %scan3A_4 = arith.addi %scan3A, %scan3A_3 : i32
    %scan3A_5 = arith.constant 1 : i32
    scf.for %scan3A_12 = %scan3A to %scan3A_4 step %scan3A_5  : i32 {
      %get3A = arith.index_cast %scan3A_12 : i32 to index
      %get3A_13 = arith.constant 0 : index
      %get3A_14 = arith.constant 0 : index
      %get3A_15 = vector.load %arg1[%get3A, %get3A_13, %get3A_14] : memref<10x8x512xf32, #tpu.memory_space<vmem>>, vector<1x8x512xf32>
      %get3A_16 = vector.shape_cast %get3A_15 : vector<1x8x512xf32> to vector<8x512xf32>
      %slice3A = vector.extract_strided_slice %get3A_16 {offsets = [7, 0], sizes = [1, 512], strides = [1, 1]} : vector<8x512xf32> to vector<1x512xf32>
      %sub3A = arith.constant 1.000000e+00 : f32
      %sub3A_17 = vector.broadcast %sub3A : f32 to vector<1x512xf32>
      %sub3A_18 = arith.subf %sub3A_17, %slice3A : vector<1x512xf32>
      %swap3A = arith.index_cast %scan3A_12 : i32 to index
      %swap3A_19 = arith.constant 0 : index
      %swap3A_20 = arith.constant 0 : index
      %swap3A_21 = vector.load %arg3[%swap3A, %swap3A_19, %swap3A_20] : memref<10x1x512xf32, #tpu.memory_space<vmem>>, vector<1x1x512xf32>
      %swap3A_22 = vector.shape_cast %swap3A_21 : vector<1x1x512xf32> to vector<1x512xf32>
      %swap3A_23 = vector.shape_cast %sub3A_18 : vector<1x512xf32> to vector<1x1x512xf32>
      tpu.vector_store %arg3[%swap3A, %swap3A_19, %swap3A_20], %swap3A_23 {strides = array<i32>} : memref<10x1x512xf32, #tpu.memory_space<vmem>>, vector<1x1x512xf32>,
    }
    %scan3A_6 = arith.constant 10 : i32
    %scan3A_7 = arith.constant 0 : i32
    %scan3A_8 = arith.constant 10 : i32
    %scan3A_9 = arith.addi %scan3A_7, %scan3A_8 : i32
    %scan3A_10 = arith.constant 1 : i32
    scf.for %scan3A_12 = %scan3A_7 to %scan3A_9 step %scan3A_10  : i32 {
      %get3A = arith.index_cast %scan3A_12 : i32 to index
      %get3A_13 = arith.constant 0 : index
      %get3A_14 = arith.constant 0 : index
      %get3A_15 = vector.load %arg0[%get3A, %get3A_13, %get3A_14] : memref<10x512x8xf32, #tpu.memory_space<vmem>>, vector<1x512x8xf32>
      %get3A_16 = vector.shape_cast %get3A_15 : vector<1x512x8xf32> to vector<512x8xf32>
      %get3A_17 = arith.index_cast %scan3A_12 : i32 to index
      %get3A_18 = arith.constant 0 : index
      %get3A_19 = arith.constant 0 : index
      %get3A_20 = vector.load %arg3[%get3A_17, %get3A_18, %get3A_19] : memref<10x1x512xf32, #tpu.memory_space<vmem>>, vector<1x1x512xf32>
      %get3A_21 = vector.shape_cast %get3A_20 : vector<1x1x512xf32> to vector<1x512xf32>
      %lt3A = arith.constant 5.000000e-01 : f32
      %lt3A_22 = vector.broadcast %lt3A : f32 to vector<1x512xf32>
      %lt3A_23 = arith.cmpf olt, %get3A_21, %lt3A_22 : vector<1x512xf32>
      %reduce_or3A = arith.constant 1.000000e+00 : f32
      %reduce_or3A_24 = arith.constant 0.000000e+00 : f32
      %reduce_or3A_25 = vector.broadcast %reduce_or3A : f32 to vector<1x512xf32>
      %reduce_or3A_26 = vector.broadcast %reduce_or3A_24 : f32 to vector<1x512xf32>
      %reduce_or3A_27 = arith.select %lt3A_23, %reduce_or3A_25, %reduce_or3A_26 : vector<1x512xi1>, vector<1x512xf32>
      %reduce_or3A_28 = vector.shape_cast %reduce_or3A_27 : vector<1x512xf32> to vector<1x1x512xf32>
      %reduce_or3A_29 = arith.constant dense<0xFF800000> : vector<1xf32>
      %reduce_or3A_30 = vector.multi_reduction <maximumf>, %reduce_or3A_28, %reduce_or3A_29 [1, 2] : vector<1x1x512xf32> to vector<1xf32>
      %reduce_or3A_31 = vector.shape_cast %reduce_or3A_30 : vector<1xf32> to vector<1x1x1xf32>
      %reduce_or3A_32 = vector.extract %reduce_or3A_31[0, 0, 0] : f32 from vector<1x1x1xf32>
      %reduce_or3A_33 = arith.constant 0.000000e+00 : f32
      %reduce_or3A_34 = arith.cmpf ogt, %reduce_or3A_32, %reduce_or3A_33 : f32
      %eq3A_35 = arith.constant 0 : i32
      %eq3A_36 = vector.broadcast %eq3A_35 : i32 to vector<512x8xi32>
      %eq3A_37 = arith.cmpi eq, %iota3A_2, %eq3A_36 : vector<512x8xi32>
      %jit3A = arith.constant 0.000000e+00 : f32
      %broadcast_in_dim3A = vector.broadcast %jit3A : f32 to vector<512x8xf32>
      %select_n3A = arith.select %eq3A_37, %get3A_16, %broadcast_in_dim3A : vector<512x8xi1>, vector<512x8xf32>
      %reduce_sum3A = arith.constant dense<0.000000e+00> : vector<512xf32>
      %reduce_sum3A_38 = vector.multi_reduction <add>, %select_n3A, %reduce_sum3A [1] : vector<512x8xf32> to vector<512xf32>
      %broadcast_in_dim3A_39 = vector.shape_cast %reduce_sum3A_38 : vector<512xf32> to vector<512x1xf32>
      %eq3A_40 = arith.constant 1 : i32
      %eq3A_41 = vector.broadcast %eq3A_40 : i32 to vector<512x8xi32>
      %eq3A_42 = arith.cmpi eq, %iota3A_2, %eq3A_41 : vector<512x8xi32>
      %jit3A_43 = arith.constant 0.000000e+00 : f32
      %broadcast_in_dim3A_44 = vector.broadcast %jit3A_43 : f32 to vector<512x8xf32>
      %select_n3A_45 = arith.select %eq3A_42, %get3A_16, %broadcast_in_dim3A_44 : vector<512x8xi1>, vector<512x8xf32>
      %reduce_sum3A_46 = arith.constant dense<0.000000e+00> : vector<512xf32>
      %reduce_sum3A_47 = vector.multi_reduction <add>, %select_n3A_45, %reduce_sum3A_46 [1] : vector<512x8xf32> to vector<512xf32>
      %broadcast_in_dim3A_48 = vector.shape_cast %reduce_sum3A_47 : vector<512xf32> to vector<512x1xf32>
      %eq3A_49 = arith.constant 2 : i32
      %eq3A_50 = vector.broadcast %eq3A_49 : i32 to vector<512x8xi32>
      %eq3A_51 = arith.cmpi eq, %iota3A_2, %eq3A_50 : vector<512x8xi32>
      %jit3A_52 = arith.constant 0.000000e+00 : f32
      %broadcast_in_dim3A_53 = vector.broadcast %jit3A_52 : f32 to vector<512x8xf32>
      %select_n3A_54 = arith.select %eq3A_51, %get3A_16, %broadcast_in_dim3A_53 : vector<512x8xi1>, vector<512x8xf32>
      %reduce_sum3A_55 = arith.constant dense<0.000000e+00> : vector<512xf32>
      %reduce_sum3A_56 = vector.multi_reduction <add>, %select_n3A_54, %reduce_sum3A_55 [1] : vector<512x8xf32> to vector<512xf32>
      %broadcast_in_dim3A_57 = vector.shape_cast %reduce_sum3A_56 : vector<512xf32> to vector<512x1xf32>
      %eq3A_58 = arith.constant 3 : i32
      %eq3A_59 = vector.broadcast %eq3A_58 : i32 to vector<512x8xi32>
      %eq3A_60 = arith.cmpi eq, %iota3A_2, %eq3A_59 : vector<512x8xi32>
      %jit3A_61 = arith.constant 0.000000e+00 : f32
      %broadcast_in_dim3A_62 = vector.broadcast %jit3A_61 : f32 to vector<512x8xf32>
      %select_n3A_63 = arith.select %eq3A_60, %get3A_16, %broadcast_in_dim3A_62 : vector<512x8xi1>, vector<512x8xf32>
      %reduce_sum3A_64 = arith.constant dense<0.000000e+00> : vector<512xf32>
      %reduce_sum3A_65 = vector.multi_reduction <add>, %select_n3A_63, %reduce_sum3A_64 [1] : vector<512x8xf32> to vector<512xf32>
      %broadcast_in_dim3A_66 = vector.shape_cast %reduce_sum3A_65 : vector<512xf32> to vector<512x1xf32>
      %convert_element_type3A_67 = arith.extui %reduce_or3A_34 : i1 to i32
      %cond3A = arith.constant 0 : i32
      %cond3A_68 = arith.cmpi ne, %convert_element_type3A_67, %cond3A : i32
      scf.if %cond3A_68 {
        %get3A_90 = arith.index_cast %scan3A_12 : i32 to index
        %get3A_91 = arith.constant 0 : index
        %get3A_92 = arith.constant 0 : index
        %get3A_93 = vector.load %arg1[%get3A_90, %get3A_91, %get3A_92] : memref<10x8x512xf32, #tpu.memory_space<vmem>>, vector<1x8x512xf32>
        %get3A_94 = vector.shape_cast %get3A_93 : vector<1x8x512xf32> to vector<8x512xf32>
        %slice3A = vector.extract_strided_slice %get3A_94 {offsets = [0, 0], sizes = [1, 512], strides = [1, 1]} : vector<8x512xf32> to vector<1x512xf32>
        %slice3A_95 = vector.extract_strided_slice %get3A_94 {offsets = [1, 0], sizes = [1, 512], strides = [1, 1]} : vector<8x512xf32> to vector<1x512xf32>
        %slice3A_96 = vector.extract_strided_slice %get3A_94 {offsets = [2, 0], sizes = [1, 512], strides = [1, 1]} : vector<8x512xf32> to vector<1x512xf32>
        %slice3A_97 = vector.extract_strided_slice %get3A_94 {offsets = [3, 0], sizes = [1, 512], strides = [1, 1]} : vector<8x512xf32> to vector<1x512xf32>
        %sub3A_98 = arith.subf %broadcast_in_dim3A_57, %broadcast_in_dim3A_39 : vector<512x1xf32>
        %sub3A_99 = arith.subf %broadcast_in_dim3A_66, %broadcast_in_dim3A_48 : vector<512x1xf32>
        %mul3A_100 = arith.mulf %sub3A_98, %sub3A_99 : vector<512x1xf32>
        %sub3A_101 = arith.subf %slice3A_96, %slice3A : vector<1x512xf32>
        %sub3A_102 = arith.subf %slice3A_97, %slice3A_95 : vector<1x512xf32>
        %mul3A_103 = arith.mulf %sub3A_101, %sub3A_102 : vector<1x512xf32>
        %max3A = vector.broadcast %broadcast_in_dim3A_39 : vector<512x1xf32> to vector<512x512xf32>
        %max3A_104 = vector.broadcast %slice3A : vector<1x512xf32> to vector<512x512xf32>
        %max3A_105 = arith.maximumf %max3A, %max3A_104 : vector<512x512xf32>
        %max3A_106 = vector.broadcast %broadcast_in_dim3A_48 : vector<512x1xf32> to vector<512x512xf32>
        %max3A_107 = vector.broadcast %slice3A_95 : vector<1x512xf32> to vector<512x512xf32>
        %max3A_108 = arith.maximumf %max3A_106, %max3A_107 : vector<512x512xf32>
        %min3A = vector.broadcast %broadcast_in_dim3A_57 : vector<512x1xf32> to vector<512x512xf32>
        %min3A_109 = vector.broadcast %slice3A_96 : vector<1x512xf32> to vector<512x512xf32>
        %min3A_110 = arith.minimumf %min3A, %min3A_109 : vector<512x512xf32>
        %min3A_111 = vector.broadcast %broadcast_in_dim3A_66 : vector<512x1xf32> to vector<512x512xf32>
        %min3A_112 = vector.broadcast %slice3A_97 : vector<1x512xf32> to vector<512x512xf32>
        %min3A_113 = arith.minimumf %min3A_111, %min3A_112 : vector<512x512xf32>
        %sub3A_114 = arith.subf %min3A_110, %max3A_105 : vector<512x512xf32>
        %jit3A_115 = arith.constant 0.000000e+00 : f32
        %max3A_116 = vector.broadcast %jit3A_115 : f32 to vector<512x512xf32>
        %max3A_117 = arith.maximumf %max3A_116, %sub3A_114 : vector<512x512xf32>
        %sub3A_118 = arith.subf %min3A_113, %max3A_108 : vector<512x512xf32>
        %jit3A_119 = arith.constant 0.000000e+00 : f32
        %max3A_120 = vector.broadcast %jit3A_119 : f32 to vector<512x512xf32>
        %max3A_121 = arith.maximumf %max3A_120, %sub3A_118 : vector<512x512xf32>
        %mul3A_122 = arith.mulf %max3A_117, %max3A_121 : vector<512x512xf32>
        %add3A = vector.broadcast %mul3A_100 : vector<512x1xf32> to vector<512x512xf32>
        %add3A_123 = vector.broadcast %mul3A_103 : vector<1x512xf32> to vector<512x512xf32>
        %add3A_124 = arith.addf %add3A, %add3A_123 : vector<512x512xf32>
        %sub3A_125 = arith.subf %add3A_124, %mul3A_122 : vector<512x512xf32>
        %add3A_126 = arith.constant 9.99999971E-10 : f32
        %add3A_127 = vector.broadcast %add3A_126 : f32 to vector<512x512xf32>
        %add3A_128 = arith.addf %sub3A_125, %add3A_127 : vector<512x512xf32>
        %div3A = arith.divf %mul3A_122, %add3A_128 : vector<512x512xf32>
        %gt3A_129 = arith.constant 4.500000e-01 : f32
        %gt3A_130 = vector.broadcast %gt3A_129 : f32 to vector<512x512xf32>
        %gt3A_131 = arith.cmpf ogt, %div3A, %gt3A_130 : vector<512x512xf32>
        %and3A = arith.andi %gt3A_131, %gt3A : vector<512x512xi1>
        %jit3A_132 = arith.constant 1.000000e+00 : f32
        %jit3A_133 = arith.constant 0.000000e+00 : f32
        %broadcast_in_dim3A_134 = vector.broadcast %jit3A_132 : f32 to vector<512x512xf32>
        %broadcast_in_dim3A_135 = vector.broadcast %jit3A_133 : f32 to vector<512x512xf32>
        %select_n3A_136 = arith.select %and3A, %broadcast_in_dim3A_134, %broadcast_in_dim3A_135 : vector<512x512xi1>, vector<512x512xf32>
        %swap3A_137 = arith.constant 0 : index
        %swap3A_138 = arith.constant 0 : index
        %swap3A_139 = vector.load %arg4[%swap3A_137, %swap3A_138] : memref<512x512xf32, #tpu.memory_space<vmem>>, vector<512x512xf32>
        tpu.vector_store %arg4[%swap3A_137, %swap3A_138], %select_n3A_136 {strides = array<i32>} : memref<512x512xf32, #tpu.memory_space<vmem>>, vector<512x512xf32>,
        %while3A = arith.constant true
        %while3A_140:2 = scf.while (%while3A_147 = %get3A_21, %while3A_148 = %while3A) : (vector<1x512xf32>, i1) -> (vector<1x512xf32>, i1) {
          scf.condition(%while3A_148) %while3A_147, %while3A_148 : vector<1x512xf32>, i1
        } do {
        ^bb0(%while3A_147: vector<1x512xf32>, %while3A_148: i1):
          %sub3A_149 = arith.constant 1.000000e+00 : f32
          %sub3A_150 = vector.broadcast %sub3A_149 : f32 to vector<1x512xf32>
          %sub3A_151 = arith.subf %sub3A_150, %while3A_147 : vector<1x512xf32>
          %mul3A_152 = vector.broadcast %sub3A_151 : vector<1x512xf32> to vector<512x512xf32>
          %mul3A_153 = arith.mulf %convert_element_type3A_1, %mul3A_152 : vector<512x512xf32>
          %reduce_sum3A_154 = arith.constant dense<0.000000e+00> : vector<512xf32>
          %reduce_sum3A_155 = vector.multi_reduction <add>, %mul3A_153, %reduce_sum3A_154 [1] : vector<512x512xf32> to vector<512xf32>
          %broadcast_in_dim3A_156 = vector.shape_cast %reduce_sum3A_155 : vector<512xf32> to vector<512x1xf32>
          %get3A_157 = arith.constant 0 : index
          %get3A_158 = arith.constant 0 : index
          %get3A_159 = vector.load %arg4[%get3A_157, %get3A_158] : memref<512x512xf32, #tpu.memory_space<vmem>>, vector<512x512xf32>
          %mul3A_160 = vector.broadcast %broadcast_in_dim3A_156 : vector<512x1xf32> to vector<512x512xf32>
          %mul3A_161 = arith.mulf %get3A_159, %mul3A_160 : vector<512x512xf32>
          %reduce_max3A = arith.constant dense<0xFF800000> : vector<512xf32>
          %reduce_max3A_162 = vector.multi_reduction <maximumf>, %mul3A_161, %reduce_max3A [0] : vector<512x512xf32> to vector<512xf32>
          %broadcast_in_dim3A_163 = vector.shape_cast %reduce_max3A_162 : vector<512xf32> to vector<1x512xf32>
          %max3A_164 = arith.maximumf %get3A_21, %broadcast_in_dim3A_163 : vector<1x512xf32>
          %ne3A = arith.cmpf one, %max3A_164, %while3A_147 : vector<1x512xf32>
          %reduce_or3A_165 = arith.constant 1.000000e+00 : f32
          %reduce_or3A_166 = arith.constant 0.000000e+00 : f32
          %reduce_or3A_167 = vector.broadcast %reduce_or3A_165 : f32 to vector<1x512xf32>
          %reduce_or3A_168 = vector.broadcast %reduce_or3A_166 : f32 to vector<1x512xf32>
          %reduce_or3A_169 = arith.select %ne3A, %reduce_or3A_167, %reduce_or3A_168 : vector<1x512xi1>, vector<1x512xf32>
          %reduce_or3A_170 = vector.shape_cast %reduce_or3A_169 : vector<1x512xf32> to vector<1x1x512xf32>
          %reduce_or3A_171 = arith.constant dense<0xFF800000> : vector<1xf32>
          %reduce_or3A_172 = vector.multi_reduction <maximumf>, %reduce_or3A_170, %reduce_or3A_171 [1, 2] : vector<1x1x512xf32> to vector<1xf32>
          %reduce_or3A_173 = vector.shape_cast %reduce_or3A_172 : vector<1xf32> to vector<1x1x1xf32>
          %reduce_or3A_174 = vector.extract %reduce_or3A_173[0, 0, 0] : f32 from vector<1x1x1xf32>
          %reduce_or3A_175 = arith.constant 0.000000e+00 : f32
          %reduce_or3A_176 = arith.cmpf ogt, %reduce_or3A_174, %reduce_or3A_175 : f32
          scf.yield %max3A_164, %reduce_or3A_176 : vector<1x512xf32>, i1
        }
        %swap3A_141 = arith.index_cast %scan3A_12 : i32 to index
        %swap3A_142 = arith.constant 0 : index
        %swap3A_143 = arith.constant 0 : index
        %swap3A_144 = vector.load %arg3[%swap3A_141, %swap3A_142, %swap3A_143] : memref<10x1x512xf32, #tpu.memory_space<vmem>>, vector<1x1x512xf32>
        %swap3A_145 = vector.shape_cast %swap3A_144 : vector<1x1x512xf32> to vector<1x512xf32>
        %swap3A_146 = vector.shape_cast %while3A_140#0 : vector<1x512xf32> to vector<1x1x512xf32>
        tpu.vector_store %arg3[%swap3A_141, %swap3A_142, %swap3A_143], %swap3A_146 {strides = array<i32>} : memref<10x1x512xf32, #tpu.memory_space<vmem>>, vector<1x1x512xf32>,
      } else {
      }
      %get3A_69 = arith.index_cast %scan3A_12 : i32 to index
      %get3A_70 = arith.constant 0 : index
      %get3A_71 = arith.constant 0 : index
      %get3A_72 = vector.load %arg3[%get3A_69, %get3A_70, %get3A_71] : memref<10x1x512xf32, #tpu.memory_space<vmem>>, vector<1x1x512xf32>
      %get3A_73 = vector.shape_cast %get3A_72 : vector<1x1x512xf32> to vector<1x512xf32>
      %sub3A = arith.constant 1.000000e+00 : f32
      %sub3A_74 = vector.broadcast %sub3A : f32 to vector<1x512xf32>
      %sub3A_75 = arith.subf %sub3A_74, %get3A_73 : vector<1x512xf32>
      %mul3A = vector.broadcast %sub3A_75 : vector<1x512xf32> to vector<512x512xf32>
      %mul3A_76 = arith.mulf %convert_element_type3A_1, %mul3A : vector<512x512xf32>
      %reduce_sum3A_77 = arith.constant dense<0.000000e+00> : vector<512xf32>
      %reduce_sum3A_78 = vector.multi_reduction <add>, %mul3A_76, %reduce_sum3A_77 [1] : vector<512x512xf32> to vector<512xf32>
      %broadcast_in_dim3A_79 = vector.shape_cast %reduce_sum3A_78 : vector<512xf32> to vector<512x1xf32>
      %mul3A_80 = vector.broadcast %broadcast_in_dim3A_79 : vector<512x1xf32> to vector<512x8xf32>
      %mul3A_81 = arith.mulf %get3A_16, %mul3A_80 : vector<512x8xf32>
      %swap3A = arith.index_cast %scan3A_12 : i32 to index
      %swap3A_82 = arith.constant 0 : index
      %swap3A_83 = arith.constant 0 : index
      %swap3A_84 = vector.load %arg2[%swap3A, %swap3A_82, %swap3A_83] : memref<10x512x8xf32, #tpu.memory_space<vmem>>, vector<1x512x8xf32>
      %swap3A_85 = vector.shape_cast %swap3A_84 : vector<1x512x8xf32> to vector<512x8xf32>
      %swap3A_86 = vector.shape_cast %mul3A_81 : vector<512x8xf32> to vector<1x512x8xf32>
      tpu.vector_store %arg2[%swap3A, %swap3A_82, %swap3A_83], %swap3A_86 {strides = array<i32>} : memref<10x512x8xf32, #tpu.memory_space<vmem>>, vector<1x512x8xf32>,
      %convert_element_type3A_87 = arith.extui %reduce_or3A_34 : i1 to i32
      %cond3A_88 = arith.constant 0 : i32
      %cond3A_89 = arith.cmpi ne, %convert_element_type3A_87, %cond3A_88 : i32
      scf.if %cond3A_89 {
        %scan3A_90 = arith.constant 0 : i32
        %scan3A_91 = arith.constant 10 : i32
        %scan3A_92 = arith.addi %scan3A_90, %scan3A_91 : i32
        %scan3A_93 = arith.constant 2 : i32
        scf.for %scan3A_95 = %scan3A_90 to %scan3A_92 step %scan3A_93  : i32 {
          %gt3A_96 = arith.cmpi sgt, %scan3A_95, %scan3A_12 : i32
          %convert_element_type3A_97 = arith.extui %gt3A_96 : i1 to i32
          %cond3A_98 = arith.constant 0 : i32
          %cond3A_99 = arith.cmpi ne, %convert_element_type3A_97, %cond3A_98 : i32
          scf.if %cond3A_99 {
            %get3A_106 = arith.index_cast %scan3A_95 : i32 to index
            %get3A_107 = arith.constant 0 : index
            %get3A_108 = arith.constant 0 : index
            %get3A_109 = vector.load %arg1[%get3A_106, %get3A_107, %get3A_108] : memref<10x8x512xf32, #tpu.memory_space<vmem>>, vector<1x8x512xf32>
            %get3A_110 = vector.shape_cast %get3A_109 : vector<1x8x512xf32> to vector<8x512xf32>
            %slice3A = vector.extract_strided_slice %get3A_110 {offsets = [0, 0], sizes = [1, 512], strides = [1, 1]} : vector<8x512xf32> to vector<1x512xf32>
            %slice3A_111 = vector.extract_strided_slice %get3A_110 {offsets = [1, 0], sizes = [1, 512], strides = [1, 1]} : vector<8x512xf32> to vector<1x512xf32>
            %slice3A_112 = vector.extract_strided_slice %get3A_110 {offsets = [2, 0], sizes = [1, 512], strides = [1, 1]} : vector<8x512xf32> to vector<1x512xf32>
            %slice3A_113 = vector.extract_strided_slice %get3A_110 {offsets = [3, 0], sizes = [1, 512], strides = [1, 1]} : vector<8x512xf32> to vector<1x512xf32>
            %sub3A_114 = arith.subf %broadcast_in_dim3A_57, %broadcast_in_dim3A_39 : vector<512x1xf32>
            %sub3A_115 = arith.subf %broadcast_in_dim3A_66, %broadcast_in_dim3A_48 : vector<512x1xf32>
            %mul3A_116 = arith.mulf %sub3A_114, %sub3A_115 : vector<512x1xf32>
            %sub3A_117 = arith.subf %slice3A_112, %slice3A : vector<1x512xf32>
            %sub3A_118 = arith.subf %slice3A_113, %slice3A_111 : vector<1x512xf32>
            %mul3A_119 = arith.mulf %sub3A_117, %sub3A_118 : vector<1x512xf32>
            %max3A = vector.broadcast %broadcast_in_dim3A_39 : vector<512x1xf32> to vector<512x512xf32>
            %max3A_120 = vector.broadcast %slice3A : vector<1x512xf32> to vector<512x512xf32>
            %max3A_121 = arith.maximumf %max3A, %max3A_120 : vector<512x512xf32>
            %max3A_122 = vector.broadcast %broadcast_in_dim3A_48 : vector<512x1xf32> to vector<512x512xf32>
            %max3A_123 = vector.broadcast %slice3A_111 : vector<1x512xf32> to vector<512x512xf32>
            %max3A_124 = arith.maximumf %max3A_122, %max3A_123 : vector<512x512xf32>
            %min3A = vector.broadcast %broadcast_in_dim3A_57 : vector<512x1xf32> to vector<512x512xf32>
            %min3A_125 = vector.broadcast %slice3A_112 : vector<1x512xf32> to vector<512x512xf32>
            %min3A_126 = arith.minimumf %min3A, %min3A_125 : vector<512x512xf32>
            %min3A_127 = vector.broadcast %broadcast_in_dim3A_66 : vector<512x1xf32> to vector<512x512xf32>
            %min3A_128 = vector.broadcast %slice3A_113 : vector<1x512xf32> to vector<512x512xf32>
            %min3A_129 = arith.minimumf %min3A_127, %min3A_128 : vector<512x512xf32>
            %sub3A_130 = arith.subf %min3A_126, %max3A_121 : vector<512x512xf32>
            %jit3A_131 = arith.constant 0.000000e+00 : f32
            %max3A_132 = vector.broadcast %jit3A_131 : f32 to vector<512x512xf32>
            %max3A_133 = arith.maximumf %max3A_132, %sub3A_130 : vector<512x512xf32>
            %sub3A_134 = arith.subf %min3A_129, %max3A_124 : vector<512x512xf32>
            %jit3A_135 = arith.constant 0.000000e+00 : f32
            %max3A_136 = vector.broadcast %jit3A_135 : f32 to vector<512x512xf32>
            %max3A_137 = arith.maximumf %max3A_136, %sub3A_134 : vector<512x512xf32>
            %mul3A_138 = arith.mulf %max3A_133, %max3A_137 : vector<512x512xf32>
            %add3A = vector.broadcast %mul3A_116 : vector<512x1xf32> to vector<512x512xf32>
            %add3A_139 = vector.broadcast %mul3A_119 : vector<1x512xf32> to vector<512x512xf32>
            %add3A_140 = arith.addf %add3A, %add3A_139 : vector<512x512xf32>
            %sub3A_141 = arith.subf %add3A_140, %mul3A_138 : vector<512x512xf32>
            %add3A_142 = arith.constant 9.99999971E-10 : f32
            %add3A_143 = vector.broadcast %add3A_142 : f32 to vector<512x512xf32>
            %add3A_144 = arith.addf %sub3A_141, %add3A_143 : vector<512x512xf32>
            %div3A = arith.divf %mul3A_138, %add3A_144 : vector<512x512xf32>
            %gt3A_145 = arith.constant 4.500000e-01 : f32
            %gt3A_146 = vector.broadcast %gt3A_145 : f32 to vector<512x512xf32>
            %gt3A_147 = arith.cmpf ogt, %div3A, %gt3A_146 : vector<512x512xf32>
            %jit3A_148 = arith.constant 0.000000e+00 : f32
            %broadcast_in_dim3A_149 = vector.shape_cast %broadcast_in_dim3A_79 : vector<512x1xf32> to vector<512x1xf32>
            %broadcast_in_dim3A_150 = vector.broadcast %broadcast_in_dim3A_149 : vector<512x1xf32> to vector<512x512xf32>
            %broadcast_in_dim3A_151 = vector.broadcast %jit3A_148 : f32 to vector<512x512xf32>
            %select_n3A_152 = arith.select %gt3A_147, %broadcast_in_dim3A_150, %broadcast_in_dim3A_151 : vector<512x512xi1>, vector<512x512xf32>
            %reduce_max3A = arith.constant dense<0xFF800000> : vector<512xf32>
            %reduce_max3A_153 = vector.multi_reduction <maximumf>, %select_n3A_152, %reduce_max3A [0] : vector<512x512xf32> to vector<512xf32>
            %broadcast_in_dim3A_154 = vector.shape_cast %reduce_max3A_153 : vector<512xf32> to vector<1x512xf32>
            %get3A_155 = arith.index_cast %scan3A_95 : i32 to index
            %get3A_156 = arith.constant 0 : index
            %get3A_157 = arith.constant 0 : index
            %get3A_158 = vector.load %arg3[%get3A_155, %get3A_156, %get3A_157] : memref<10x1x512xf32, #tpu.memory_space<vmem>>, vector<1x1x512xf32>
            %get3A_159 = vector.shape_cast %get3A_158 : vector<1x1x512xf32> to vector<1x512xf32>
            %max3A_160 = arith.maximumf %get3A_159, %broadcast_in_dim3A_154 : vector<1x512xf32>
            %swap3A_161 = arith.index_cast %scan3A_95 : i32 to index
            %swap3A_162 = arith.constant 0 : index
            %swap3A_163 = arith.constant 0 : index
            %swap3A_164 = vector.load %arg3[%swap3A_161, %swap3A_162, %swap3A_163] : memref<10x1x512xf32, #tpu.memory_space<vmem>>, vector<1x1x512xf32>
            %swap3A_165 = vector.shape_cast %swap3A_164 : vector<1x1x512xf32> to vector<1x512xf32>
            %swap3A_166 = vector.shape_cast %max3A_160 : vector<1x512xf32> to vector<1x1x512xf32>
            tpu.vector_store %arg3[%swap3A_161, %swap3A_162, %swap3A_163], %swap3A_166 {strides = array<i32>} : memref<10x1x512xf32, #tpu.memory_space<vmem>>, vector<1x1x512xf32>,
          } else {
          }
          %scan3A_100 = arith.constant 1 : i32
          %scan3A_101 = arith.addi %scan3A_95, %scan3A_100 : i32
          %gt3A_102 = arith.cmpi sgt, %scan3A_101, %scan3A_12 : i32
          %convert_element_type3A_103 = arith.extui %gt3A_102 : i1 to i32
          %cond3A_104 = arith.constant 0 : i32
          %cond3A_105 = arith.cmpi ne, %convert_element_type3A_103, %cond3A_104 : i32
          scf.if %cond3A_105 {
            %get3A_106 = arith.index_cast %scan3A_101 : i32 to index
            %get3A_107 = arith.constant 0 : index
            %get3A_108 = arith.constant 0 : index
            %get3A_109 = vector.load %arg1[%get3A_106, %get3A_107, %get3A_108] : memref<10x8x512xf32, #tpu.memory_space<vmem>>, vector<1x8x512xf32>
            %get3A_110 = vector.shape_cast %get3A_109 : vector<1x8x512xf32> to vector<8x512xf32>
            %slice3A = vector.extract_strided_slice %get3A_110 {offsets = [0, 0], sizes = [1, 512], strides = [1, 1]} : vector<8x512xf32> to vector<1x512xf32>
            %slice3A_111 = vector.extract_strided_slice %get3A_110 {offsets = [1, 0], sizes = [1, 512], strides = [1, 1]} : vector<8x512xf32> to vector<1x512xf32>
            %slice3A_112 = vector.extract_strided_slice %get3A_110 {offsets = [2, 0], sizes = [1, 512], strides = [1, 1]} : vector<8x512xf32> to vector<1x512xf32>
            %slice3A_113 = vector.extract_strided_slice %get3A_110 {offsets = [3, 0], sizes = [1, 512], strides = [1, 1]} : vector<8x512xf32> to vector<1x512xf32>
            %sub3A_114 = arith.subf %broadcast_in_dim3A_57, %broadcast_in_dim3A_39 : vector<512x1xf32>
            %sub3A_115 = arith.subf %broadcast_in_dim3A_66, %broadcast_in_dim3A_48 : vector<512x1xf32>
            %mul3A_116 = arith.mulf %sub3A_114, %sub3A_115 : vector<512x1xf32>
            %sub3A_117 = arith.subf %slice3A_112, %slice3A : vector<1x512xf32>
            %sub3A_118 = arith.subf %slice3A_113, %slice3A_111 : vector<1x512xf32>
            %mul3A_119 = arith.mulf %sub3A_117, %sub3A_118 : vector<1x512xf32>
            %max3A = vector.broadcast %broadcast_in_dim3A_39 : vector<512x1xf32> to vector<512x512xf32>
            %max3A_120 = vector.broadcast %slice3A : vector<1x512xf32> to vector<512x512xf32>
            %max3A_121 = arith.maximumf %max3A, %max3A_120 : vector<512x512xf32>
            %max3A_122 = vector.broadcast %broadcast_in_dim3A_48 : vector<512x1xf32> to vector<512x512xf32>
            %max3A_123 = vector.broadcast %slice3A_111 : vector<1x512xf32> to vector<512x512xf32>
            %max3A_124 = arith.maximumf %max3A_122, %max3A_123 : vector<512x512xf32>
            %min3A = vector.broadcast %broadcast_in_dim3A_57 : vector<512x1xf32> to vector<512x512xf32>
            %min3A_125 = vector.broadcast %slice3A_112 : vector<1x512xf32> to vector<512x512xf32>
            %min3A_126 = arith.minimumf %min3A, %min3A_125 : vector<512x512xf32>
            %min3A_127 = vector.broadcast %broadcast_in_dim3A_66 : vector<512x1xf32> to vector<512x512xf32>
            %min3A_128 = vector.broadcast %slice3A_113 : vector<1x512xf32> to vector<512x512xf32>
            %min3A_129 = arith.minimumf %min3A_127, %min3A_128 : vector<512x512xf32>
            %sub3A_130 = arith.subf %min3A_126, %max3A_121 : vector<512x512xf32>
            %jit3A_131 = arith.constant 0.000000e+00 : f32
            %max3A_132 = vector.broadcast %jit3A_131 : f32 to vector<512x512xf32>
            %max3A_133 = arith.maximumf %max3A_132, %sub3A_130 : vector<512x512xf32>
            %sub3A_134 = arith.subf %min3A_129, %max3A_124 : vector<512x512xf32>
            %jit3A_135 = arith.constant 0.000000e+00 : f32
            %max3A_136 = vector.broadcast %jit3A_135 : f32 to vector<512x512xf32>
            %max3A_137 = arith.maximumf %max3A_136, %sub3A_134 : vector<512x512xf32>
            %mul3A_138 = arith.mulf %max3A_133, %max3A_137 : vector<512x512xf32>
            %add3A = vector.broadcast %mul3A_116 : vector<512x1xf32> to vector<512x512xf32>
            %add3A_139 = vector.broadcast %mul3A_119 : vector<1x512xf32> to vector<512x512xf32>
            %add3A_140 = arith.addf %add3A, %add3A_139 : vector<512x512xf32>
            %sub3A_141 = arith.subf %add3A_140, %mul3A_138 : vector<512x512xf32>
            %add3A_142 = arith.constant 9.99999971E-10 : f32
            %add3A_143 = vector.broadcast %add3A_142 : f32 to vector<512x512xf32>
            %add3A_144 = arith.addf %sub3A_141, %add3A_143 : vector<512x512xf32>
            %div3A = arith.divf %mul3A_138, %add3A_144 : vector<512x512xf32>
            %gt3A_145 = arith.constant 4.500000e-01 : f32
            %gt3A_146 = vector.broadcast %gt3A_145 : f32 to vector<512x512xf32>
            %gt3A_147 = arith.cmpf ogt, %div3A, %gt3A_146 : vector<512x512xf32>
            %jit3A_148 = arith.constant 0.000000e+00 : f32
            %broadcast_in_dim3A_149 = vector.shape_cast %broadcast_in_dim3A_79 : vector<512x1xf32> to vector<512x1xf32>
            %broadcast_in_dim3A_150 = vector.broadcast %broadcast_in_dim3A_149 : vector<512x1xf32> to vector<512x512xf32>
            %broadcast_in_dim3A_151 = vector.broadcast %jit3A_148 : f32 to vector<512x512xf32>
            %select_n3A_152 = arith.select %gt3A_147, %broadcast_in_dim3A_150, %broadcast_in_dim3A_151 : vector<512x512xi1>, vector<512x512xf32>
            %reduce_max3A = arith.constant dense<0xFF800000> : vector<512xf32>
            %reduce_max3A_153 = vector.multi_reduction <maximumf>, %select_n3A_152, %reduce_max3A [0] : vector<512x512xf32> to vector<512xf32>
            %broadcast_in_dim3A_154 = vector.shape_cast %reduce_max3A_153 : vector<512xf32> to vector<1x512xf32>
            %get3A_155 = arith.index_cast %scan3A_101 : i32 to index
            %get3A_156 = arith.constant 0 : index
            %get3A_157 = arith.constant 0 : index
            %get3A_158 = vector.load %arg3[%get3A_155, %get3A_156, %get3A_157] : memref<10x1x512xf32, #tpu.memory_space<vmem>>, vector<1x1x512xf32>
            %get3A_159 = vector.shape_cast %get3A_158 : vector<1x1x512xf32> to vector<1x512xf32>
            %max3A_160 = arith.maximumf %get3A_159, %broadcast_in_dim3A_154 : vector<1x512xf32>
            %swap3A_161 = arith.index_cast %scan3A_101 : i32 to index
            %swap3A_162 = arith.constant 0 : index
            %swap3A_163 = arith.constant 0 : index
            %swap3A_164 = vector.load %arg3[%swap3A_161, %swap3A_162, %swap3A_163] : memref<10x1x512xf32, #tpu.memory_space<vmem>>, vector<1x1x512xf32>
            %swap3A_165 = vector.shape_cast %swap3A_164 : vector<1x1x512xf32> to vector<1x512xf32>
            %swap3A_166 = vector.shape_cast %max3A_160 : vector<1x512xf32> to vector<1x1x512xf32>
            tpu.vector_store %arg3[%swap3A_161, %swap3A_162, %swap3A_163], %swap3A_166 {strides = array<i32>} : memref<10x1x512xf32, #tpu.memory_space<vmem>>, vector<1x1x512xf32>,
          } else {
          }
        }
        %scan3A_94 = arith.constant 10 : i32
      } else {
      }
    }
    %scan3A_11 = arith.constant 10 : i32
    return
  }
}

</mosaic_0001>

<sc_bundles>
// kernel: gather_offload_async_start
scs
__scs_entry_jumppad:
0x0: {  	(pc) =	sbr.rel $0x88, $3  }
0x1: {  	(tag) =	ssettag $0x0;
	lr =	simm.s32 $0x1  }
0x2: {  	[smem:$0x3FA0] =	sst lr;
	_ =	strace $0xD0000000  }
0x3: {  	_ = 	snop  }
0x4: {  	_ = 	snop  }
0x5: {  	_ = 	snop  }
0x6: {  	_ = 	snop  }
0x7: {  	_ = 	snop  }
__scs_overlays_trampoline_lowered:
0x8: {  	[smem:$0x3FAF] =	sst s0  }
0x9: {  	[smem:$0x3FB0] =	sst s1  }
0xa: {  	[smem:$0x3FB1] =	sst s2  }
0xb: {  	[smem:$0x3FB2] =	sst s3  }
0xc: {  	[smem:$0x3FB3] =	sst s4  }
0xd: {  	[smem:$0x3FB4] =	sst s5  }
0xe: {  	[smem:$0x3FB5] =	sst s6  }
0xf: {  	[smem:$0x3FB6] =	sst s7  }
0x10: {  	[smem:$0x3FB7] =	sst s8  }
0x11: {  	[smem:$0x3FB8] =	sst s9;
	s0 =	simm.s32 @!p0 $0x0  }
0x12: {  	s1 =	sld [smem:$0x3F9E];
	s0 =	simm.s32 @p0 $0x1  }
0x13: {  	[smem:$0x3FB9] =	sst s0;
	s0 =	simm.s32 @!p1 $0x0  }
0x14: {  	s2 =	sld [smem:$0x3F9D];
	s0 =	simm.s32 @p1 $0x1  }
0x15: {  	[smem:$0x3FBA] =	sst s0;
	s0 =	simm.s32 @!p2 $0x0  }
0x16: {  	s3 =	sld [smem:$0x3FDB];
	s0 =	simm.s32 @p2 $0x1  }
0x17: {  	s4 =	simm.s32 $0x1BF5;
	[smem:$0x3FBC] =	sst s0  }
0x18: {  	s0 =	sld [smem:$0x3F9F];
	_ =	swait.ge [sflag:s4], $0x0  }
0x19: {  	s7 =	sld [smem:$0x3FA0]  }
0x1a: {  	s8 =	sadd.s32 $0xFFFFE003, lr  }
0x1b: {  	s9 =	sadd.s32 $0xFFFFFEF7, lr;
	s5 =	simm.s32 $0xFFFFFFFF;
	p2 =	slt.u32 s8, $0xFFFFF086  }
0x1c: {  	p1 =	slt.u32 s9, $0xF7A;
	s5 =	simm.s32 @!p2 $0x0  }
0x1d: {  	s5 =	simm.s32 @p1 $0x1;
	p0 =	seq.s32 s7, s2  }
0x1e: {  	s7 =	smul.u32 @!p0 $0xF7A, s2;
	p2 =	seq.s32 @!p0 s5, $0x0  }
0x1f: {  	s9 =	smul.u32 $0xF7A, s1;
	s8 =	simm.s32 @!p0 $0x1BF5;
	p2 =	por !p2, p0  }
0x20: {  	[sflag:s8] =	ssyncset.s32 @!p0 $0xFFFFF086;
	s6 =	sadd.s32 @!p0 s3, s7;
	s7 =	simm.s32 @!p0 $0x108  }
0x21: {  	s3 =	sadd.s32 s3, s9;
	s6 =	sadd.s32 @!p0 $0x88, s6;
	s7 =	simm.s32 @p2 $0x1082  }
0x22: {  	[simem:s7], [sflag:s8] =	dma.local @!p0 [hbm:s6], $0xF7A  }
0x23: {  	s9 =	sor.u32 $0xD0000000, s2;
	s6 =	simm.s32 $0x108;
	_ =	swait.ge @!p0 [sflag:s8], $0x0  }
0x24: {  	s3 =	sadd.s32 $0x88, s3;
	s6 =	simm.s32 @!p1 $0x1082;
	[sflag:s4] =	ssyncset.s32 $0xFFFFF086  }
0x25: {  	[simem:s6], [sflag:s4] =	dma.local [hbm:s3], $0xF7A  }
0x26: {  	[smem:$0x3FA0] =	sst s1;
	(tag) =	ssettag s2;
	_ =	strace s9  }
0x27: {  	s1 =	sld [smem:$0x3FB0]  }
0x28: {  	s2 =	sld [smem:$0x3FB1]  }
0x29: {  	s4 =	sld [smem:$0x3FB3]  }
0x2a: {  	p0 =	seq.s32 s5, $0x0;
	s5 =	sld [smem:$0x3FB4]  }
0x2b: {  	s6 =	sld [smem:$0x3FB5]  }
0x2c: {  	s7 =	sld [smem:$0x3FB6]  }
0x2d: {  	s3 =	simm.s32 $0x108;
	s8 =	sld [smem:$0x3FB7]  }
0x2e: {  	s3 =	simm.s32 @!p0 $0x1082;
	s9 =	sld [smem:$0x3FB8]  }
0x2f: {  	lr =	sadd.s32 s0, s3;
	s0 =	sld [smem:$0x3FAF]  }
0x30: {  	s3 =	sld [smem:$0x3FB2]  }
0x31: {  	[smem:$0x3FBB] =	sst s10  }
0x32: {  	s10 =	sld [smem:$0x3FB9];
	_ =	sdelay $0x3  }
0x33: {  	p0 =	seq.s32 s10, $0x1;
	s10 =	sld [smem:$0x3FBB];
	_ =	sdelay $0x3  }
0x34: {  	[smem:$0x3FBB] =	sst s10  }
0x35: {  	s10 =	sld [smem:$0x3FBA];
	_ =	sdelay $0x3  }
0x36: {  	p1 =	seq.s32 s10, $0x1;
	s10 =	sld [smem:$0x3FBB];
	_ =	sdelay $0x3  }
0x37: {  	[smem:$0x3FBB] =	sst s10  }
0x38: {  	s10 =	sld [smem:$0x3FBC]  }
0x39: {  	_ = 	snop;
	(pc) =	sbr.ind lr, $3  }
0x3a: {  	_ = 	snop  }
0x3b: {  	_ = 	snop  }
0x3c: {  	p2 =	seq.s32 s10, $0x1;
	s10 =	sld [smem:$0x3FBB]  }
0x3d: {  	_ =	shalt  }
0x3e: {  	_ =	shalt  }
0x3f: {  	_ =	shalt  }
0x40: {  	_ =	shalt  }
0x41: {  	_ =	shalt  }
0x42: {  	_ =	shalt  }
0x43: {  	_ =	shalt  }
0x44: {  	_ =	shalt  }
0x45: {  	_ =	shalt  }
0x46: {  	_ =	shalt  }
0x47: {  	_ =	shalt  }
0x48: {  	_ =	shalt  }
0x49: {  	_ =	shalt  }
0x4a: {  	_ =	shalt  }
0x4b: {  	_ =	shalt  }
0x4c: {  	_ =	shalt  }
0x4d: {  	_ =	shalt  }
0x4e: {  	_ =	shalt  }
0x4f: {  	_ =	shalt  }
0x50: {  	_ =	shalt  }
0x51: {  	_ =	shalt  }
0x52: {  	_ =	shalt  }
0x53: {  	_ =	shalt  }
0x54: {  	_ =	shalt  }
0x55: {  	_ =	shalt  }
0x56: {  	_ =	shalt  }
0x57: {  	_ =	shalt  }
0x58: {  	_ =	shalt  }
0x59: {  	_ =	shalt  }
0x5a: {  	_ =	shalt  }
0x5b: {  	_ =	shalt  }
0x5c: {  	_ =	shalt  }
0x5d: {  	_ =	shalt  }
0x5e: {  	_ =	shalt  }
0x5f: {  	_ =	shalt  }
0x60: {  	_ =	shalt  }
0x61: {  	_ =	shalt  }
0x62: {  	_ =	shalt  }
0x63: {  	_ =	shalt  }
0x64: {  	_ =	shalt  }
0x65: {  	_ =	shalt  }
0x66: {  	_ =	shalt  }
0x67: {  	_ =	shalt  }
0x68: {  	_ =	shalt  }
0x69: {  	_ =	shalt  }
0x6a: {  	_ =	shalt  }
0x6b: {  	_ =	shalt  }
0x6c: {  	_ =	shalt  }
0x6d: {  	_ =	shalt  }
0x6e: {  	_ =	shalt  }
0x6f: {  	_ =	shalt  }
0x70: {  	_ =	shalt  }
0x71: {  	_ =	shalt  }
0x72: {  	_ =	shalt  }
0x73: {  	_ =	shalt  }
0x74: {  	_ =	shalt  }
0x75: {  	_ =	shalt  }
0x76: {  	_ =	shalt  }
0x77: {  	_ =	shalt  }
0x78: {  	_ =	shalt  }
0x79: {  	_ =	shalt  }
0x7a: {  	_ =	shalt  }
0x7b: {  	_ =	shalt  }
0x7c: {  	_ =	shalt  }
0x7d: {  	_ =	shalt  }
0x7e: {  	_ =	shalt  }
0x7f: {  	_ =	shalt  }
0x80: {  	_ =	shalt  }
0x81: {  	_ =	shalt  }
0x82: {  	_ =	shalt  }
0x83: {  	_ =	shalt  }
0x84: {  	_ =	shalt  }
0x85: {  	_ =	shalt  }
0x86: {  	_ =	shalt  }
0x87: {  	_ =	shalt  }
.Lfunc_end0:
.L_simem_size_0:
called_computation_lowered:
.L_overlay_start_0:
0x88: {  	s2 =	sld [smem:$0x3FD9]  }
0x89: {  	s3 =	sld [smem:$0x3FFE];
	_ =	sdelay $0x1  }
0x8a: {  	s1 =	srdreg.scid  }
0x8b: {  	s0 =	sand.u32 $0x1, s1  }
0x8c: {  	s17 =	sshll.u32 s0, $0xA;
	s2 =	sadd.s32 s3, s2  }
0x8d: {  	s2 =	sadd.s32 s2, s17  }
0x8e: {  	[smem:$0x3FC7] =	sst s2  }
0x8f: {  	_ = 	snop  }
0x90: {  	s2 =	sld [smem:$0x3FD0];
	(tm) =	ssettm $0x1  }
0x91: {  	s18 =	sld [smem:$0x3FFB];
	_ =	sdelay $0x3  }
0x92: {  	_ =	strace s18  }
0x93: {  	s3 =	sld [smem:$0x3FFC];
	_ =	sdelay $0x3  }
0x94: {  	_ =	strace s3  }
0x95: {  	s3 =	sld [smem:$0x3FFD];
	_ =	sdelay $0x3  }
0x96: {  	_ =	strace s3  }
0x97: {  	_ =	strace $0x8FFFFFFF  }
0x98: {  	s19 =	sld [smem:$0x3FDB];
	_ =	sdelay $0x1  }
0x99: {  	s4 =	simm.s32 $_scs_section_size  }
0x9a: {  	s5 =	simm.s32 $_size__tile_overlayer_lowered;
	s6 =	simm.s32 $_tile_overlayer_lowered  }
0x9b: {  	s22 =	simm.s32 $0x1BFF;
	s21 =	sshll.u32 s6, $0x1;
	s3 =	sadd.s32 s4, s19  }
0x9c: {  	s7 =	simm.s32 $0x0;
	s20 =	sshll.u32 s5, $0x1;
	s5 =	sadd.s32 s21, s3  }
0x9d: {  	[timem:s7], [sflag:s22] =	dma.local [hbm:s5], s20  }
0x9e: {  	_ =	swait.ge [sflag:s22], s20  }
0x9f: {  	s4 =	ssub.s32 $0x0, s20;
	[sflag:s22] =	ssyncset.done $0x0  }
0xa0: {  	[sflag:s22] =	ssyncadd.s32 s4;
	_ =	sdelay $0x1  }
0xa1: {  	s23 =	simm.s32 $0x1B8B  }
0xa2: {  	_ =	swait.ge [sflag:s23], $0x1  }
0xa3: {  	[sflag:s23] =	ssyncset.done $0x0  }
0xa4: {  	s25 =	simm.s32 $0x1B8E;
	s24 =	sld [smem:$0x3FFE];
	[sflag:s23] =	ssyncadd.s32 $0xFFFFFFFF  }
0xa5: {  	s26 =	simm.s32 $execute0_lowered;
	[smem:$0x3FD2] =	sst s25  }
0xa6: {  	s5 =	sshll.u32 s26, $0x1;
	_ =	strace $0x80000046;
	[dreg:$0x1] =	wrdreg $0xFFFFFFFF  }
0xa7: {  	s28 =	simm.s32 $_size_execute0_lowered;
	s3 =	sadd.s32 s3, s5;
	[dreg:$0x0] =	wrdreg $0x0  }
0xa8: {  	s5 =	sshll.u32 s28, $0x1;
	[dreg:$0x2] =	wrdreg s3  }
0xa9: {  	[dreg:$0x3] =	wrdreg s5  }
0xaa: {  	[dreg:$0x4] =	wrdreg $0xC0  }
0xab: {  	_ =	task [dreg:s7], $0x5FFFF  }
0xac: {  	[dreg:$0x1] =	wrdreg $0xFFFFFFFF  }
0xad: {  	[dreg:$0x0] =	wrdreg $0x60  }
0xae: {  	[dreg:$0x2] =	wrdreg s24  }
0xaf: {  	[dreg:$0x3] =	wrdreg s2  }
0xb0: {  	[dreg:$0x4] =	wrdreg $0x9  }
0xb1: {  	_ =	task.clear_ibuf [dreg:s7], $0x5FFFF;
	_ =	strace $0x90000046  }
0xb2: {  	s29 =	simm.s32 $0x9;
	_ =	strace $0x80000048  }
0xb3: {  	_ =	swait.ge [sflag:s29], $0x1  }
0xb4: {  	[sflag:s29] =	ssyncadd.s32 $0xFFFFFFFF  }
0xb5: {  	_ =	strace $0x90000048  }
0xb6: {  	_ =	sfence  }
0xb7: {  	s30 =	sld [smem:$0x0];
	_ =	sdelay $0x2  }
0xb8: {  	s31 =	sshll.u32 s1, $0xD;
	s1 =	sshrl.u32 s1, $0x2  }
0xb9: {  	s3 =	sand.u32 $0x4000, s31;
	s1 =	sadd.s32 s1, s30  }
0xba: {  	s0 =	sor.u32 s3, s0;
	s1 =	sshll.u32 s1, $0x11  }
0xbb: {  	s0 =	sor.u32 s1, s0  }
0xbc: {  	s0 =	sadd.s32 $0x8F2B, s0  }
0xbd: {  	[sflag:s0] =	ssyncadd.remote.s32 $0x1  }
0xbe: {  	_ =	sfence.sel $0xFFFF  }
0xbf: {  	[dreg:$0x0] =	wrdreg $0xFFFFFFFF;
	(pc) =	sbr.abs _section_cstart, $3  }
0xc0: {  	[dreg:$0x1] =	wrdreg $0xFFFFFFFF  }
0xc1: {  	_ =	task.clear_ibuf [dreg:s7], $0x2FFFF;
	_ =	strace $0x9FFFFFFF  }
0xc2: {  	(tm) =	ssettm $0x7FFFFFFF  }
0xc3: {  	_ =	shalt  }
tec
execute0_lowered:
.L_overlay_start_1:
0x0: {  	(tag) =	ssettag $0x1  }
0x1: {  	s0 =	srdreg.scid  }
0x2: {  	s1 =	sshll.u32 s0, $0x4  }
0x3: {  	s0 =	stileid.u32;
	s1 =	sand.u32 $0x10, s1  }
0x4: {  	s1 =	sor.u32 s0, s1  }
0x5: {  	s3 =	rddreg [dreg:$0x0];
	s2 =	smin.u32 s1, $0x8  }
0x6: {  	p0 =	slt.u32 s1, $0x8;
	s2 =	sadd.s32 s1, s2;
	s1 =	simm.s32 $0x100  }
0x7: {  	s4 =	rddreg [dreg:$0x1];
	s2 =	sshll.u32 s2, $0x7;
	s1 =	simm.s32 @!p0 $0x80  }
0x8: {  	s6 =	simm.s32 $0x1;
	s7 =	simm.s32 $0x2;
	s1 =	sadd.s32 s1, s2  }
0x9: {  	s10 =	simm.s32 $0x3;
	s13 =	simm.s32 $0x0;
	s5 =	smin.u32 s1, $0x1400  }
.Ltmp0:
0xa: {  	s12 =	simm.s32 $0x0;
	s8 =	ssub.s32 s5, s2;
	(pc) =	sbr.rel .LBB2_1-.Ltmp0, $4  }
0xb: {  	s1 =	rddreg [dreg:$0x2];
	_ =	strace $0x80000047;
	p0 =	sgt.s32 s8, $0x0  }
0xc: {  	s9 =	sadd.s32 $0x14000, s3;
	[sflag:s6] =	ssyncpa.u1 $0x0;
	s8 =	simm.s32 @!p0 $0x0  }
0xd: {  	s11 =	smov.u32 s2;
	[sflag:s7] =	ssyncpa.u1 $0x0;
	s8 =	sshrl.u32 s8, $0x7  }
0xe: {  	vm0 =	vmmov $0xff;
	vm1 =	vcmask $0x3F20;
	[sflag:s10] =	ssyncpa.u1 $0x0;
	p0 =	por $0x0, $0x0;
	s10 =	sadd.s32 $0x1, s8  }
.LBB2_6:
0xf: {  	[hbm:s17] =	stream.linear.scatter [tilespmem:s14], [sflag:$0x3], $0x400, $0x38;
	[tilespmem:$0x8100] =	vst v63  }
.LBB2_7:
0x10: {  	s13 =	sadd.s32 $0x80, s11  }
0x11: {  	s15 =	smov.u32 s2;
	p2 =	slt.s32 s13, s5  }
0x12: {  	s15 =	smov.u32 @p2 s13;
	p2 =	sne.s32 s12, s10  }
.Ltmp1:
0x13: {  	p1 =	slt.u32 s12, $0x2;
	(pc) =	sbr.rel @!p2 .LBB2_8-.Ltmp1, $4  }
0x14: {  	s14 =	simm.s32 @!p1 $0x3  }
0x15: {  	s16 =	sadd.s32 $0x1, s12;
	_ =	swait.ge @!p1 [sflag:s14], $0x4000  }
0x16: {  	p0 =	por !p0, !p0;
	s13 =	smov.u32 s11;
	[sflag:s14] =	ssyncset.done @!p1 $0x0  }
0x17: {  	s12 =	smov.u32 s16;
	s11 =	smov.u32 s15;
	[sflag:s14] =	ssyncadd.s32 @!p1 $0xFFFFC000  }
.LBB2_1:
0x18: {  	p1 =	sge.u32 s12, s8  }
0x19: {  	s14 =	sxor.u32 @!p1 $0xFFFFFFFF, s12  }
0x1a: {  	s31 =	sadd.s32 $0xFFFFFFFF, s12;
	s15 =	sshrl.u32 @!p1 s11, $0x3;
	s14 =	sshll.u32 @!p1 s14, $0x7  }
0x1b: {  	s16 =	sand.u32 @!p1 $0x7, s11;
	s15 =	sadd.s32 @!p1 s4, s15;
	s14 =	sand.u32 @!p1 $0x80, s14  }
0x1c: {  	[tilespmem:s14], [sflag:$0x2] =	stream.linear.gather @!p1 [hbm4b:s15+s16], $0x80, $0x38;
	[tilespmem:$0x8100] =	vst v63  }
0x1d: {  	p1 =	sge.u32 s31, s8  }
.Ltmp2:
0x1e: {  	_ = 	snop;
	(pc) =	sbr.rel @p1 .LBB2_7-.Ltmp2, $1  }
0x1f: {  	_ =	sdelay $0x3  }
0x20: {  	s14 =	simm.s32 $0x1  }
0x21: {  	_ =	swait.ge [sflag:s7], $0x80;
	s14 =	simm.s32 @!p0 $0x0  }
0x22: {  	[sflag:s7] =	ssyncset.done $0x0;
	s16 =	sshll.u32 s14, $0x7  }
0x23: {  	[sflag:s7] =	ssyncadd.s32 $0xFFFFFF80;
	s15 =	sadd.s32 $0x0, s16  }
0x24: {  	v0 =	vld.msk [tilespmem:s15+$0x0 ss:$0x1], $0xffff;
	_ =	sdelay $0x4  }
0x25: {  	vm2 =	vgt.s32 v0, $0x0  }
0x26: {  	v0 =	vnsel vm2, $0x0, v0  }
0x27: {  	v0 =	vmin.u32 v0, $0x13FF  }
0x28: {  	v0 =	vshll.u32 v0, $0x4;
	_ =	sdelay $0x2  }
0x29: {  	s14 =	sshll.u32 s14, $0xE  }
0x2a: {  	s14 =	sor.u32 $0x100, s14  }
0x2b: {  	[tilespmem:s14], [sflag:$0x1] =	stream.indirect_vreg.gather [hbm:s3], $0x80, v0, vm0, $0x38;
	[tilespmem:$0x8100] =	vst v63  }
0x2c: {  	s17 =	sadd.s32 $0x10, s16;
	s15 =	sadd.s32 $0x400, s14  }
0x2d: {  	[tilespmem:s15], [sflag:$0x1] =	stream.indirect_vreg.gather [hbm:s3], $0x80, v0, vm1, $0x38;
	[tilespmem:$0x8100] =	vst v63  }
0x2e: {  	s18 =	simm.s32 $0x80;
	v0 =	vld.msk [tilespmem:s17+$0x0 ss:$0x1], $0xffff;
	s17 =	smov.u32 s14  }
.LBB2_3:
0x2f: {  	p1 =	sne.s32 s18, $0x1C0;
	_ =	sdelay $0x4  }
0x30: {  	vm2 =	vgt.s32 v0, $0x0  }
0x31: {  	v0 =	vnsel vm2, $0x0, v0  }
0x32: {  	v0 =	vmin.u32 v0, $0x13FF  }
0x33: {  	v0 =	vshll.u32 v0, $0x4;
	_ =	sdelay $0x3  }
.Ltmp3:
0x34: {  	s19 =	sshra.s32 s18, $0x2;
	s17 =	sadd.s32 $0x800, s17;
	(pc) =	sbr.rel @p1 .LBB2_3-.Ltmp3, $4  }
0x35: {  	[tilespmem:s17], [sflag:$0x1] =	stream.indirect_vreg.gather [hbm:s3], $0x80, v0, vm0, $0x38;
	[tilespmem:$0x8100] =	vst v63  }
0x36: {  	s19 =	sadd.s32 s19, s16;
	s20 =	sadd.s32 $0x400, s17  }
0x37: {  	[tilespmem:s20], [sflag:$0x1] =	stream.indirect_vreg.gather [hbm:s3], $0x80, v0, vm1, $0x38;
	[tilespmem:$0x8100] =	vst v63  }
0x38: {  	s18 =	sadd.s32 $0x40, s18;
	v0 =	vld.msk [tilespmem:s19+$0x0 ss:$0x1], $0xffff  }
0x39: {  	_ =	sdelay $0x3  }
0x3a: {  	vm2 =	vgt.s32 v0, $0x0  }
0x3b: {  	v0 =	vnsel vm2, $0x0, v0  }
0x3c: {  	v0 =	vmin.u32 v0, $0x13FF  }
0x3d: {  	v0 =	vshll.u32 v0, $0x4;
	_ =	sdelay $0x3  }
0x3e: {  	s16 =	sadd.s32 $0x800, s17  }
0x3f: {  	[tilespmem:s16], [sflag:$0x1] =	stream.indirect_vreg.gather [hbm:s3], $0x80, v0, vm0, $0x38;
	[tilespmem:$0x8100] =	vst v63  }
0x40: {  	s16 =	sadd.s32 $0x400, s16  }
0x41: {  	[tilespmem:s16], [sflag:$0x1] =	stream.indirect_vreg.gather [hbm:s3], $0x80, v0, vm1, $0x38;
	[tilespmem:$0x8100] =	vst v63  }
0x42: {  	s13 =	sshll.u32 s13, $0x4;
	_ =	swait.ge [sflag:s6], $0x4000  }
0x43: {  	s13 =	sadd.s32 s13, s9;
	[sflag:s6] =	ssyncset.done $0x0  }
0x44: {  	s17 =	sadd.s32 $0x0, s13;
	s16 =	simm.s32 $0x80;
	[sflag:s6] =	ssyncadd.s32 $0xFFFFC000  }
.LBB2_5:
0x45: {  	[hbm:s17] =	stream.linear.scatter [tilespmem:s14], [sflag:$0x3], $0x400, $0x38;
	[tilespmem:$0x8100] =	vst v63  }
0x46: {  	s17 =	smov.u32 s16;
	s14 =	smov.u32 s15;
	p1 =	sne.s32 s16, $0x780  }
.Ltmp4:
0x47: {  	s16 =	sadd.s32 $0x80, s16;
	(pc) =	sbr.rel @p1 .LBB2_5-.Ltmp4, $2  }
0x48: {  	_ =	sdelay $0x2  }
0x49: {  	s15 =	sadd.s32 $0x400, s15;
	s17 =	sadd.s32 s17, s13  }
.Ltmp5:
0x4a: {  	_ = 	snop;
	(pc) =	sbr.rel .LBB2_6-.Ltmp5, $1  }
0x4b: {  	_ =	sdelay $0x3  }
.LBB2_8:
0x4c: {  	_ =	sfence.sel $0x180000  }
0x4d: {  	s2 =	simm.s32 $0x2;
	[bflag:$0x0] =	sbarrier.arrive $0xFFFF  }
0x4e: {  	s30 =	simm.s32 $0x3;
	[sflag:s2] =	ssyncpa.u1 $0x1  }
0x4f: {  	s31 =	simm.s32 $0x1;
	[sflag:s30] =	ssyncpa.u1 $0x1  }
0x50: {  	[sflag:s31] =	ssyncpa.u1 $0x1  }
0x51: {  	p0 =	sne.s32 s0, $0x0;
	_ =	strace $0x90000047  }
0x52: {  	s0 =	sadd.s32 @!p0 $0x100000, s1;
	[bflag:$0x2] =	sbarrier.arrive $0xFFFF  }
0x53: {  	[sflag:s0] =	ssyncadd.tile.s32 @!p0 $0x1;
	_ =	shalt  }
.Lfunc_end2:
_tile_overlayer_lowered:
.L_overlay_start_2:
0x54: {  	(tag) =	ssettag $0x2  }
0x55: {  	s0 =	rddreg [dreg:$0x0];
	s2 =	stileid.u32  }
0x56: {  	s1 =	rddreg [dreg:$0x1];
	p0 =	sne.s32 s2, $0x0  }
0x57: {  	s3 =	rddreg [dreg:$0x2];
	[bflag:$0x3] =	sbarrier.arrive $0xFFFF;
	s2 =	simm.s32 @!p0 $0x1C01  }
0x58: {  	[timem:s3], [sflag:s2] =	dma.local @!p0 [hbm:s0], s1  }
0x59: {  	s0 =	simm.s32 @!p0 $0x1  }
0x5a: {  	_ =	swait.ge @!p0 [sflag:s0], s1  }
0x5b: {  	s1 =	ssub.s32 @!p0 $0x0, s1;
	[sflag:s0] =	ssyncset.done @!p0 $0x0  }
0x5c: {  	[sflag:s0] =	ssyncadd.s32 @!p0 s1  }
0x5d: {  	[bflag:$0x3] =	sbarrier.arrive $0xFFFF  }
0x5e: {  	_ =	shalt  }

</sc_bundles>
